<compile_context>
chip_gen: v7x
topology: tpu7x:2x2x1
jax: 0.10.2.dev20260603
libtpu: 0.0.44.dev20260713+nightly
codegen_flags: <defaults>
</compile_context>

<pallas_src>
import functools

import jax
import jax.numpy as jnp
from jax import lax
from jax.experimental import pallas as pl
from jax.experimental.pallas import tpu as pltpu
from jax.experimental.pallas import tpu_sc as plsc

HID = 128
NH = 8
DPH = 16
N_NODES = 10000
N_EDGES = 160000

_NC = 2
_NS = 16
_NW = _NC * _NS
_CHUNK = 128
_NCHUNKS = N_EDGES // _CHUNK
_ITERS = -(-_NCHUNKS // _NW)
_NPS = N_NODES // _NC
_TBL = 5120
_ZCH = _TBL // _CHUNK

_EB = 2000
_NB = 2000
_FB = 1000


def _erf(z):
    s = jnp.sign(z)
    a = jnp.abs(z)
    t = 1.0 / (1.0 + 0.3275911 * a)
    poly = t * (0.254829592 + t * (-0.284496736 + t * (1.421413741
           + t * (-1.453152027 + t * 1.061405429))))
    return s * (1.0 - poly * jnp.exp(-a * a))


def _gelu(h):
    return 0.5 * h * (1.0 + _erf(h * 0.7071067811865475))


def _gelu_fast(h):
    z = h * (1.5957691216057308 + 0.07135481282052715 * h * h)
    return h / (1.0 + jnp.exp(-z))


def _ln_v(xv, g, b):
    mu = jnp.mean(xv, axis=1, keepdims=True)
    var = jnp.mean((xv - mu) ** 2, axis=1, keepdims=True)
    return (xv - mu) * lax.rsqrt(var + 1e-5) * g + b


def _ln_body(x_ref, g_ref, b_ref, o_ref):
    o_ref[...] = _ln_v(x_ref[...], g_ref[...], b_ref[...])


def _ln_call(x, g, b):
    grid = (N_NODES // _NB,)
    return pl.pallas_call(
        _ln_body,
        grid=grid,
        in_specs=[
            pl.BlockSpec((_NB, HID), lambda i: (i, 0)),
            pl.BlockSpec((1, HID), lambda i: (0, 0)),
            pl.BlockSpec((1, HID), lambda i: (0, 0)),
        ],
        out_specs=pl.BlockSpec((_NB, HID), lambda i: (i, 0)),
        out_shape=jax.ShapeDtypeStruct((N_NODES, HID), jnp.float32),
    )(x, g, b)


def _gather_body(xn_hbm, src_hbm, dst_hbm, srcf_out, dstf_out,
                 idx_s, idx_d, rows_s, rows_d, sem_s, sem_d):
    c = lax.axis_index("c")
    s = lax.axis_index("s")
    wid = s * _NC + c

    def body(j, carry):
        chunk = wid + j * _NW

        @pl.when(chunk < _NCHUNKS)
        def _():
            base = chunk * _CHUNK
            pltpu.sync_copy(src_hbm.at[pl.ds(base, _CHUNK)], idx_s)
            pltpu.sync_copy(dst_hbm.at[pl.ds(base, _CHUNK)], idx_d)
            cs = pltpu.async_copy(xn_hbm.at[idx_s], rows_s, sem_s)
            cd = pltpu.async_copy(xn_hbm.at[idx_d], rows_d, sem_d)
            cs.wait()
            cd.wait()
            pltpu.sync_copy(rows_s, srcf_out.at[pl.ds(base, _CHUNK)])
            pltpu.sync_copy(rows_d, dstf_out.at[pl.ds(base, _CHUNK)])
        return carry

    lax.fori_loop(0, _ITERS, body, 0)


def _gather_call(xn, src, dst):
    mesh = plsc.VectorSubcoreMesh(core_axis_name="c", subcore_axis_name="s", num_cores=_NC, num_subcores=_NS)
    f = pl.kernel(
        _gather_body,
        out_type=[
            jax.ShapeDtypeStruct((N_EDGES, HID), jnp.float32),
            jax.ShapeDtypeStruct((N_EDGES, HID), jnp.float32),
        ],
        mesh=mesh,
        scratch_types=[
            pltpu.VMEM((_CHUNK,), jnp.int32),
            pltpu.VMEM((_CHUNK,), jnp.int32),
            pltpu.VMEM((_CHUNK, HID), jnp.float32),
            pltpu.VMEM((_CHUNK, HID), jnp.float32),
            pltpu.SemaphoreType.DMA,
            pltpu.SemaphoreType.DMA,
        ],
    )
    return f(xn, src, dst)


def _edge_body(srcf_ref, dstf_ref, ea_ref,
               W1s_ref, W1d_ref, W1m_ref, b1_ref,
               qW2_ref, qb2_ref, kW2_ref, kb2_ref, vW2_ref, vb2_ref,
               spW1_ref, spb1_ref, spW2_ref, spb2_ref,
               Ttile_ref, Tall_ref, R64_ref, B8_ref, D_ref, Dt_ref,
               G64_ref, Csum_ref, out_ref):
    f32 = jnp.float32
    bf16 = jnp.bfloat16
    ea = ea_ref[...]
    ea_b = ea.astype(bf16)
    h = jnp.dot(srcf_ref[...].astype(bf16), W1s_ref[...], preferred_element_type=f32)
    h = h + jnp.dot(dstf_ref[...].astype(bf16), W1d_ref[...], preferred_element_type=f32)
    h = h + jnp.dot(ea_b, W1m_ref[...], preferred_element_type=f32)
    h = h + b1_ref[...]
    hb = _gelu_fast(h).astype(bf16)

    Q = jnp.dot(hb[:, 0:256], qW2_ref[...], preferred_element_type=f32) + qb2_ref[...]
    K = jnp.dot(hb[:, 256:512], kW2_ref[...], preferred_element_type=f32) + kb2_ref[...]
    V = jnp.dot(hb[:, 512:768], vW2_ref[...], preferred_element_type=f32) + vb2_ref[...]

    sp_h = jnp.maximum(jnp.dot(ea_b, spW1_ref[...], preferred_element_type=f32)
                       + spb1_ref[...], 0.0)
    bias8 = jnp.dot(sp_h.astype(bf16), spW2_ref[...], preferred_element_type=f32) + spb2_ref[...]

    QT = jnp.dot(Q.astype(bf16), Ttile_ref[...], preferred_element_type=f32)
    KT = jnp.dot(K.astype(bf16), Tall_ref[...], preferred_element_type=f32)
    P = (QT * KT).astype(bf16)
    S64 = jnp.dot(P, R64_ref[...], preferred_element_type=f32)
    bias64 = jnp.dot(bias8.astype(bf16), B8_ref[...], preferred_element_type=f32)
    S = jnp.minimum(S64 * 0.25 + bias64, 60.0)
    Ee = jnp.exp(S)
    denom = jnp.dot(Ee, D_ref[...], preferred_element_type=f32)
    attn64 = Ee * jnp.dot(1.0 / denom, Dt_ref[...], preferred_element_type=f32)
    A128 = jnp.dot(attn64.astype(bf16), G64_ref[...], preferred_element_type=f32)
    VT = jnp.dot(V.astype(bf16), Tall_ref[...], preferred_element_type=f32)
    M = (A128 * VT).astype(bf16)
    out_ref[...] = jnp.dot(M, Csum_ref[...], preferred_element_type=f32)


def _edge_call(srcf, dstf, ea, weights):
    (W1s, W1d, W1m, b1, qW2, qb2, kW2, kb2, vW2, vb2,
     spW1, spb1, spW2, spb2, Ttile, Tall, R64, B8, D, Dt, G64, Csum) = weights
    grid = (N_EDGES // _EB,)
    zero2 = lambda i: (0, 0)
    full = lambda a: pl.BlockSpec(a.shape, zero2)
    return pl.pallas_call(
        _edge_body,
        grid=grid,
        in_specs=[
            pl.BlockSpec((_EB, HID), lambda i: (i, 0)),
            pl.BlockSpec((_EB, HID), lambda i: (i, 0)),
            pl.BlockSpec((_EB, 16), lambda i: (i, 0)),
            full(W1s), full(W1d), full(W1m), full(b1),
            full(qW2), full(qb2), full(kW2), full(kb2), full(vW2), full(vb2),
            full(spW1), full(spb1), full(spW2), full(spb2),
            full(Ttile), full(Tall), full(R64), full(B8), full(D), full(Dt),
            full(G64), full(Csum),
        ],
        out_specs=pl.BlockSpec((_EB, HID), lambda i: (i, 0)),
        out_shape=jax.ShapeDtypeStruct((N_EDGES, HID), jnp.float32),
        compiler_params=pltpu.CompilerParams(
            dimension_semantics=("arbitrary",)),
    )(srcf, dstf, ea, W1s, W1d, W1m, b1, qW2, qb2, kW2, kb2, vW2, vb2,
      spW1, spb1, spW2, spb2, Ttile, Tall, R64, B8, D, Dt, G64, Csum)


def _scatter_body(msgs_hbm, dstloc_hbm, zeros_hbm, ones_hbm,
                  agg_out, cnt_out,
                  idx_v, rows_v, ones_v, acc_sh, cnt_sh):
    c = lax.axis_index("c")
    s = lax.axis_index("s")

    pltpu.sync_copy(zeros_hbm, rows_v)
    pltpu.sync_copy(ones_hbm, ones_v)

    def zbody(j, carry):
        chunk = s + j * _NS

        @pl.when(chunk < _ZCH)
        def _():
            r = chunk * _CHUNK
            pltpu.sync_copy(rows_v, acc_sh.at[pl.ds(r, _CHUNK)])
            pltpu.sync_copy(rows_v, cnt_sh.at[pl.ds(r, _CHUNK)])
        return carry

    lax.fori_loop(0, -(-_ZCH // _NS), zbody, 0)
    plsc.subcore_barrier()

    def body(j, carry):
        chunk = s + j * _NS

        @pl.when(chunk < _NCHUNKS)
        def _():
            base = chunk * _CHUNK
            ibase = pl.multiple_of(c * N_EDGES + base, 8)
            pltpu.sync_copy(dstloc_hbm.at[pl.ds(ibase, _CHUNK)], idx_v)
            pltpu.sync_copy(msgs_hbm.at[pl.ds(base, _CHUNK)], rows_v)
            pltpu.sync_copy(rows_v, acc_sh.at[idx_v], add=True)
            pltpu.sync_copy(ones_v, cnt_sh.at[idx_v], add=True)
        return carry

    lax.fori_loop(0, -(-_NCHUNKS // _NS), body, 0)
    plsc.subcore_barrier()

    def dbody(j, carry):
        chunk = s + j * _NS

        @pl.when(chunk < _ZCH)
        def _():
            r = chunk * _CHUNK
            pltpu.sync_copy(acc_sh.at[pl.ds(r, _CHUNK)], rows_v)
            pltpu.sync_copy(rows_v, agg_out.at[c, pl.ds(r, _CHUNK)])
            pltpu.sync_copy(cnt_sh.at[pl.ds(r, _CHUNK)], rows_v)
            pltpu.sync_copy(rows_v, cnt_out.at[c, pl.ds(r, _CHUNK)])
        return carry

    lax.fori_loop(0, -(-_ZCH // _NS), dbody, 0)


def _scatter_call(msgs, dstloc, zeros128, ones128):
    mesh = plsc.VectorSubcoreMesh(core_axis_name="c", subcore_axis_name="s", num_cores=_NC, num_subcores=_NS)
    f = pl.kernel(
        _scatter_body,
        out_type=[
            jax.ShapeDtypeStruct((_NC, _TBL, HID), jnp.float32),
            jax.ShapeDtypeStruct((_NC, _TBL, HID), jnp.float32),
        ],
        mesh=mesh,
        scratch_types=[
            pltpu.VMEM((_CHUNK,), jnp.int32),
            pltpu.VMEM((_CHUNK, HID), jnp.float32),
            pltpu.VMEM((_CHUNK, HID), jnp.float32),
            pltpu.VMEM_SHARED((_TBL, HID), jnp.float32),
            pltpu.VMEM_SHARED((_TBL, HID), jnp.float32),
        ],
    )
    return f(msgs, dstloc, zeros128, ones128)


def _final_body(x_ref, aggp_ref, cntp_ref,
                rcWa_ref, rcWb_ref, rcb_ref, g_ref, b_ref,
                ffW1_ref, ffb1_ref, ffW2_ref, ffb2_ref, o_ref):
    f32 = jnp.float32
    xv = x_ref[...]
    agg = aggp_ref[0]
    cnt = cntp_ref[0, :, 0:1]
    out = agg / jnp.maximum(cnt, 1.0)
    x1 = xv + out
    x2 = x1 + jnp.dot(x1, rcWa_ref[...], preferred_element_type=f32) \
            + jnp.dot(xv, rcWb_ref[...], preferred_element_type=f32) \
            + rcb_ref[...]
    xn2 = _ln_v(x2, g_ref[...], b_ref[...])
    hh = _gelu(jnp.dot(xn2, ffW1_ref[...], preferred_element_type=f32)
               + ffb1_ref[...])
    o_ref[...] = x2 + jnp.dot(hh, ffW2_ref[...], preferred_element_type=f32) \
                    + ffb2_ref[...]


def _final_call(x, aggp, cntp, rcWa, rcWb, rcb, g, b, ffW1, ffb1, ffW2, ffb2):
    grid = (N_NODES // _FB,)
    nblk = _NPS // _FB
    zero2 = lambda i: (0, 0)
    full = lambda a: pl.BlockSpec(a.shape, zero2)
    return pl.pallas_call(
        _final_body,
        grid=grid,
        in_specs=[
            pl.BlockSpec((_FB, HID), lambda i: (i, 0)),
            pl.BlockSpec((1, _FB, HID), lambda i: (i // nblk, i % nblk, 0)),
            pl.BlockSpec((1, _FB, HID), lambda i: (i // nblk, i % nblk, 0)),
            full(rcWa), full(rcWb), full(rcb), full(g), full(b),
            full(ffW1), full(ffb1), full(ffW2), full(ffb2),
        ],
        out_specs=pl.BlockSpec((_FB, HID), lambda i: (i, 0)),
        out_shape=jax.ShapeDtypeStruct((N_NODES, HID), jnp.float32),
        compiler_params=pltpu.CompilerParams(
            dimension_semantics=("arbitrary",)),
    )(x, aggp, cntp, rcWa, rcWb, rcb, g, b, ffW1, ffb1, ffW2, ffb2)


def kernel(x, edge_index, edge_attr, ln_g, ln_b,
           q_W1, q_b1, q_W2, q_b2,
           k_W1, k_b1, k_W2, k_b2,
           v_W1, v_b1, v_W2, v_b2,
           sp_W1, sp_b1, sp_W2, sp_b2,
           rc_W, rc_b,
           ff_W1, ff_b1, ff_W2, ff_b2):
    f32 = jnp.float32
    g2 = ln_g.reshape(1, HID)
    b2 = ln_b.reshape(1, HID)

    xn = _ln_call(x, g2, b2)

    src = edge_index[0]
    dst = edge_index[1]
    srcf, dstf = _gather_call(xn, src, dst)

    W1s = jnp.concatenate([q_W1[:HID], k_W1[:HID], v_W1[:HID]], axis=1)
    W1d = jnp.concatenate([q_W1[HID:2 * HID], k_W1[HID:2 * HID],
                           v_W1[HID:2 * HID]], axis=1)
    W1m = jnp.zeros((16, 3 * 2 * HID), f32).at[0:3].set(
        jnp.concatenate([q_W1[2 * HID:], k_W1[2 * HID:], v_W1[2 * HID:]],
                        axis=1))
    b1 = jnp.concatenate([q_b1, k_b1, v_b1]).reshape(1, 3 * 2 * HID)
    spW1 = jnp.zeros((16, 64), f32).at[3:7].set(sp_W1)
    spb1 = sp_b1.reshape(1, 64)
    spW2 = sp_W2
    spb2 = sp_b2.reshape(1, NH)

    bfp = jnp.bfloat16
    W = NH * HID
    l1 = lax.broadcasted_iota(jnp.int32, (HID, W), 0)
    j1 = lax.broadcasted_iota(jnp.int32, (HID, W), 1)
    Ttile = (l1 == j1 % HID).astype(bfp)
    Tall = (l1 == (j1 // HID) * DPH + j1 % DPH).astype(bfp)
    jR = lax.broadcasted_iota(jnp.int32, (W, NH * NH), 0)
    mR = lax.broadcasted_iota(jnp.int32, (W, NH * NH), 1)
    R64 = ((jR // HID) * NH + (jR % HID) // DPH == mR).astype(bfp)
    hB = lax.broadcasted_iota(jnp.int32, (NH, NH * NH), 0)
    mB = lax.broadcasted_iota(jnp.int32, (NH, NH * NH), 1)
    B8 = (mB % NH == hB).astype(bfp)
    i64 = lax.broadcasted_iota(jnp.int32, (NH * NH, NH), 0)
    j8b = lax.broadcasted_iota(jnp.int32, (NH * NH, NH), 1)
    D = (i64 // NH == j8b).astype(f32)
    Dt = D.T
    G64 = R64.T
    Csum = Ttile.T

    bf16 = jnp.bfloat16
    msgs = _edge_call(srcf, dstf, edge_attr,
                      (W1s.astype(bf16), W1d.astype(bf16), W1m.astype(bf16),
                       b1,
                       q_W2.astype(bf16), q_b2.reshape(1, HID),
                       k_W2.astype(bf16), k_b2.reshape(1, HID),
                       v_W2.astype(bf16), v_b2.reshape(1, HID),
                       spW1.astype(bf16), spb1, spW2.astype(bf16), spb2,
                       Ttile, Tall, R64, B8, D, Dt, G64, Csum))

    zeros128 = jnp.zeros((_CHUNK, HID), f32)
    ones128 = jnp.ones((_CHUNK, HID), f32)
    dst0 = jnp.where(dst < _NPS, dst, _NPS)
    dst1 = jnp.where(dst >= _NPS, dst - _NPS, _NPS)
    dstloc = jnp.concatenate([dst0, dst1])
    aggp, cntp = _scatter_call(msgs, dstloc, zeros128, ones128)

    return _final_call(x, aggp, cntp,
                       rc_W[:HID], rc_W[HID:], rc_b.reshape(1, HID),
                       g2, b2,
                       ff_W1, ff_b1.reshape(1, 2 * HID),
                       ff_W2, ff_b2.reshape(1, HID))

# --- scband reference (transcript-rebuilt; emitter-appended) ---
"""Pipeline reference for scband-enhanced-fusion-model-19061064860226 (READ-ONLY COPY).

The authoritative reference and input builder live on the scoring server;
editing this copy changes nothing except your own understanding.
"""

import jax, jax.numpy as jnp
import numpy as np

HID = 128
NH = 8
DPH = HID // NH
N_NODES = 10000
N_EDGES = 160000
D_EDGE = 16


def _ln(x, g, b):
    mu = jnp.mean(x, axis=-1, keepdims=True)
    var = jnp.mean((x - mu) ** 2, axis=-1, keepdims=True)
    return (x - mu) / jnp.sqrt(var + 1e-5) * g + b


def _proj(c, W1, b1, W2, b2):
    return jax.nn.gelu(c @ W1 + b1, approximate=False) @ W2 + b2


def setup_inputs(seed: int = 0):
    key = jax.random.key(seed)
    ks = jax.random.split(key, 32)

    def mk(i, shape):
        return (jax.random.normal(ks[i], shape, dtype=jnp.float32) * 0.05)

    inp = {}
    inp["x"] = jax.random.normal(ks[0], (N_NODES, HID), dtype=jnp.float32)
    inp["edge_index"] = jax.random.randint(ks[1], (2, N_EDGES), 0, N_NODES, dtype=jnp.int32)
    inp["edge_attr"] = jax.random.normal(ks[2], (N_EDGES, D_EDGE), dtype=jnp.float32)
    inp["ln_g"] = jnp.ones((HID,), dtype=jnp.float32)
    inp["ln_b"] = jnp.zeros((HID,), dtype=jnp.float32)
    inp["q_W1"] = mk(3, (2 * HID + 3, 2 * HID)); inp["q_b1"] = mk(4, (2 * HID,))
    inp["q_W2"] = mk(5, (2 * HID, HID)); inp["q_b2"] = mk(6, (HID,))
    inp["k_W1"] = mk(7, (2 * HID + 3, 2 * HID)); inp["k_b1"] = mk(8, (2 * HID,))
    inp["k_W2"] = mk(9, (2 * HID, HID)); inp["k_b2"] = mk(10, (HID,))
    inp["v_W1"] = mk(11, (2 * HID + 3, 2 * HID)); inp["v_b1"] = mk(12, (2 * HID,))
    inp["v_W2"] = mk(13, (2 * HID, HID)); inp["v_b2"] = mk(14, (HID,))
    inp["sp_W1"] = mk(15, (4, 64)); inp["sp_b1"] = mk(16, (64,))
    inp["sp_W2"] = mk(17, (64, NH)); inp["sp_b2"] = mk(18, (NH,))
    inp["rc_W"] = mk(19, (2 * HID, HID)); inp["rc_b"] = mk(20, (HID,))
    inp["ff_W1"] = mk(21, (HID, 2 * HID)); inp["ff_b1"] = mk(22, (2 * HID,))
    inp["ff_W2"] = mk(23, (2 * HID, HID)); inp["ff_b2"] = mk(24, (HID,))
    return inp


def reference(x, edge_index, edge_attr, ln_g, ln_b,
              q_W1, q_b1, q_W2, q_b2,
              k_W1, k_b1, k_W2, k_b2,
              v_W1, v_b1, v_W2, v_b2,
              sp_W1, sp_b1, sp_W2, sp_b2,
              rc_W, rc_b,
              ff_W1, ff_b1, ff_W2, ff_b2):
    original_x = x
    residual = x
    xn = _ln(x, ln_g, ln_b)
    src = edge_index[0]
    dst = edge_index[1]
    src_features = jnp.take(xn, src, axis=0)
    dst_features = jnp.take(xn, dst, axis=0)
    molecular_feats = edge_attr[:, :3]
    combined = jnp.concatenate([src_features, dst_features, molecular_feats], axis=1)
    spatial_feats = edge_attr[:, 3:7]
    Q = _proj(combined, q_W1, q_b1, q_W2, q_b2).reshape(-1, NH, DPH)
    K = _proj(combined, k_W1, k_b1, k_W2, k_b2).reshape(-1, NH, DPH)
    V = _proj(combined, v_W1, v_b1, v_W2, v_b2).reshape(-1, NH, DPH)
    attn_scores = jnp.einsum('ehd,egd->ehg', Q, K) / jnp.sqrt(jnp.float32(DPH))
    spatial_bias = (jax.nn.relu(spatial_feats @ sp_W1 + sp_b1) @ sp_W2 + sp_b2)[:, :, None]
    attn = jax.nn.softmax(attn_scores + spatial_bias, axis=1)
    msgs = jnp.einsum('ehg,egd->ehd', attn, V).reshape(-1, HID)
    agg = jax.ops.segment_sum(msgs, dst, num_segments=x.shape[0])
    cnt = jax.ops.segment_sum(jnp.ones((msgs.shape[0],), jnp.float32), dst, num_segments=x.shape[0])
    out = agg / jnp.maximum(cnt, 1.0)[:, None]
    x1 = residual + out
    fused = jnp.concatenate([x1, original_x], axis=1)
    x2 = x1 + (fused @ rc_W + rc_b)
    x3 = x2 + (jax.nn.gelu(_ln(x2, ln_g, ln_b) @ ff_W1 + ff_b1, approximate=False) @ ff_W2 + ff_b2)
    return x3

if __name__ == "__main__":
    import jax
    _d = setup_inputs()
    print(jax.jit(kernel)(*tuple(_d.values())))

</pallas_src>

<mosaic_0001>
#map = affine_map<(d0, d1) -> (0, 0)>
#map1 = affine_map<(d0, d1) -> (0)>
#map2 = affine_map<(d0, d1) -> (0, 0, 0)>
module attributes {stable_mosaic.version = 14 : i64} {
  func.func @_scatter_body(%arg0: i32, %arg1: i32, %arg2: memref<160000x128xf32, #tpu.memory_space<hbm>>, %arg3: memref<320000xi32, #tpu.memory_space<hbm>>, %arg4: memref<128x128xf32, #tpu.memory_space<hbm>>, %arg5: memref<128x128xf32, #tpu.memory_space<hbm>>, %arg6: memref<2x5120x128xf32, #tpu.memory_space<hbm>>, %arg7: memref<2x5120x128xf32, #tpu.memory_space<hbm>>, %arg8: memref<128xi32, #tpu.memory_space<vmem>>, %arg9: memref<128x128xf32, #tpu.memory_space<vmem>>, %arg10: memref<128x128xf32, #tpu.memory_space<vmem>>, %arg11: memref<5120x128xf32, #tpu.memory_space<vmem_shared>>, %arg12: memref<5120x128xf32, #tpu.memory_space<vmem_shared>>) attributes {dimension_semantics = [#tpu.dimension_semantics<core_parallel>, #tpu.dimension_semantics<subcore_parallel>], iteration_bounds = array<i64: 2, 16>, scalar_prefetch = 0 : i64, scratch_operands = 5 : i64, tpu.core_type = #tpu.core_type<sc_vector_subcore>, window_params = [{transform_indices = #map}, {transform_indices = #map1}, {transform_indices = #map}, {transform_indices = #map}, {transform_indices = #map2}, {transform_indices = #map2}]} {
    "tpu.region"() ({
      %run_scoped3A = tpu.sem_alloc : memref<!tpu.dma_semaphore, #tpu.memory_space<semaphore_mem>>
      tpu.enqueue_dma source(%arg4 : memref<128x128xf32, #tpu.memory_space<hbm>>) target(%arg9 : memref<128x128xf32, #tpu.memory_space<vmem>>) target_semaphore(%run_scoped3A : memref<!tpu.dma_semaphore, #tpu.memory_space<semaphore_mem>>)
      tpu.wait_dma2 semaphore(%run_scoped3A : memref<!tpu.dma_semaphore, #tpu.memory_space<semaphore_mem>>) src(%arg4 : memref<128x128xf32, #tpu.memory_space<hbm>>) dst(%arg9 : memref<128x128xf32, #tpu.memory_space<vmem>>)
      tpu.yield
    }) : () -> ()
    "tpu.region"() ({
      %run_scoped3A = tpu.sem_alloc : memref<!tpu.dma_semaphore, #tpu.memory_space<semaphore_mem>>
      tpu.enqueue_dma source(%arg5 : memref<128x128xf32, #tpu.memory_space<hbm>>) target(%arg10 : memref<128x128xf32, #tpu.memory_space<vmem>>) target_semaphore(%run_scoped3A : memref<!tpu.dma_semaphore, #tpu.memory_space<semaphore_mem>>)
      tpu.wait_dma2 semaphore(%run_scoped3A : memref<!tpu.dma_semaphore, #tpu.memory_space<semaphore_mem>>) src(%arg5 : memref<128x128xf32, #tpu.memory_space<hbm>>) dst(%arg10 : memref<128x128xf32, #tpu.memory_space<vmem>>)
      tpu.yield
    }) : () -> ()
    %scan3A = arith.constant 0 : i32
    %scan3A_0 = arith.constant 0 : i32
    %scan3A_1 = arith.constant 3 : i32
    %scan3A_2 = arith.addi %scan3A_0, %scan3A_1 : i32
    %scan3A_3 = arith.constant 1 : i32
    scf.for %scan3A_18 = %scan3A_0 to %scan3A_2 step %scan3A_3  : i32 {
      %mul3A = arith.constant 16 : i32
      %mul3A_19 = arith.muli %scan3A_18, %mul3A : i32
      %add3A = arith.addi %arg1, %mul3A_19 : i32
      %lt3A = arith.constant 40 : i32
      %lt3A_20 = arith.cmpi slt, %add3A, %lt3A : i32
      %convert_element_type3A = arith.extui %lt3A_20 : i1 to i32
      %cond3A = arith.constant 0 : i32
      %cond3A_21 = arith.cmpi ne, %convert_element_type3A, %cond3A : i32
      scf.if %cond3A_21 {
        %mul3A_22 = arith.constant 128 : i32
        %mul3A_23 = arith.muli %add3A, %mul3A_22 : i32
        "tpu.region"() ({
          %run_scoped3A = tpu.sem_alloc : memref<!tpu.dma_semaphore, #tpu.memory_space<semaphore_mem>>
          %dma_start3A = arith.constant 0 : i32
          %dma_start3A_24 = tpu.memref_slice %arg11[%mul3A_23, %dma_start3A] : memref<5120x128xf32, #tpu.memory_space<vmem_shared>> -> memref<128x128xf32, #tpu.memory_space<vmem_shared>>
          %dma_start3A_25 = arith.constant 0 : i32
          %dma_start3A_26 = tpu.memref_slice %arg11[%mul3A_23, %dma_start3A_25] : memref<5120x128xf32, #tpu.memory_space<vmem_shared>> -> memref<128x128xf32, #tpu.memory_space<vmem_shared>>
          tpu.enqueue_dma source(%arg9 : memref<128x128xf32, #tpu.memory_space<vmem>>) target(%dma_start3A_26 : memref<128x128xf32, #tpu.memory_space<vmem_shared>>) target_semaphore(%run_scoped3A : memref<!tpu.dma_semaphore, #tpu.memory_space<semaphore_mem>>)
          %dma_wait3A = arith.constant 0 : i32
          %dma_wait3A_27 = tpu.memref_slice %arg11[%mul3A_23, %dma_wait3A] : memref<5120x128xf32, #tpu.memory_space<vmem_shared>> -> memref<128x128xf32, #tpu.memory_space<vmem_shared>>
          %dma_wait3A_28 = arith.constant 0 : i32
          %dma_wait3A_29 = tpu.memref_slice %arg11[%mul3A_23, %dma_wait3A_28] : memref<5120x128xf32, #tpu.memory_space<vmem_shared>> -> memref<128x128xf32, #tpu.memory_space<vmem_shared>>
          tpu.wait_dma2 semaphore(%run_scoped3A : memref<!tpu.dma_semaphore, #tpu.memory_space<semaphore_mem>>) src(%arg9 : memref<128x128xf32, #tpu.memory_space<vmem>>) dst(%dma_wait3A_29 : memref<128x128xf32, #tpu.memory_space<vmem_shared>>)
          tpu.yield
        }) : () -> ()
        "tpu.region"() ({
          %run_scoped3A = tpu.sem_alloc : memref<!tpu.dma_semaphore, #tpu.memory_space<semaphore_mem>>
          %dma_start3A = arith.constant 0 : i32
          %dma_start3A_24 = tpu.memref_slice %arg12[%mul3A_23, %dma_start3A] : memref<5120x128xf32, #tpu.memory_space<vmem_shared>> -> memref<128x128xf32, #tpu.memory_space<vmem_shared>>
          %dma_start3A_25 = arith.constant 0 : i32
          %dma_start3A_26 = tpu.memref_slice %arg12[%mul3A_23, %dma_start3A_25] : memref<5120x128xf32, #tpu.memory_space<vmem_shared>> -> memref<128x128xf32, #tpu.memory_space<vmem_shared>>
          tpu.enqueue_dma source(%arg9 : memref<128x128xf32, #tpu.memory_space<vmem>>) target(%dma_start3A_26 : memref<128x128xf32, #tpu.memory_space<vmem_shared>>) target_semaphore(%run_scoped3A : memref<!tpu.dma_semaphore, #tpu.memory_space<semaphore_mem>>)
          %dma_wait3A = arith.constant 0 : i32
          %dma_wait3A_27 = tpu.memref_slice %arg12[%mul3A_23, %dma_wait3A] : memref<5120x128xf32, #tpu.memory_space<vmem_shared>> -> memref<128x128xf32, #tpu.memory_space<vmem_shared>>
          %dma_wait3A_28 = arith.constant 0 : i32
          %dma_wait3A_29 = tpu.memref_slice %arg12[%mul3A_23, %dma_wait3A_28] : memref<5120x128xf32, #tpu.memory_space<vmem_shared>> -> memref<128x128xf32, #tpu.memory_space<vmem_shared>>
          tpu.wait_dma2 semaphore(%run_scoped3A : memref<!tpu.dma_semaphore, #tpu.memory_space<semaphore_mem>>) src(%arg9 : memref<128x128xf32, #tpu.memory_space<vmem>>) dst(%dma_wait3A_29 : memref<128x128xf32, #tpu.memory_space<vmem_shared>>)
          tpu.yield
        }) : () -> ()
      } else {
      }
    }
    %scan3A_4 = arith.constant 3 : i32
    %barrier3A = arith.constant 0 : index
    tpu.barrier barrier_id(%barrier3A)
    %scan3A_5 = arith.constant 0 : i32
    %scan3A_6 = arith.constant 0 : i32
    %scan3A_7 = arith.constant 79 : i32
    %scan3A_8 = arith.addi %scan3A_6, %scan3A_7 : i32
    %scan3A_9 = arith.constant 1 : i32
    scf.for %scan3A_18 = %scan3A_6 to %scan3A_8 step %scan3A_9  : i32 {
      %mul3A = arith.constant 16 : i32
      %mul3A_19 = arith.muli %scan3A_18, %mul3A : i32
      %add3A = arith.addi %arg1, %mul3A_19 : i32
      %lt3A = arith.constant 1250 : i32
      %lt3A_20 = arith.cmpi slt, %add3A, %lt3A : i32
      %convert_element_type3A = arith.extui %lt3A_20 : i1 to i32
      %cond3A = arith.constant 0 : i32
      %cond3A_21 = arith.cmpi ne, %convert_element_type3A, %cond3A : i32
      scf.if %cond3A_21 {
        %mul3A_22 = arith.constant 128 : i32
        %mul3A_23 = arith.muli %add3A, %mul3A_22 : i32
        %mul3A_24 = arith.constant 160000 : i32
        %mul3A_25 = arith.muli %arg0, %mul3A_24 : i32
        %add3A_26 = arith.addi %mul3A_25, %mul3A_23 : i32
        %multiple_of3A = tpu.assume_multiple %add3A_26, 8 : i32
        "tpu.region"() ({
          %run_scoped3A = tpu.sem_alloc : memref<!tpu.dma_semaphore, #tpu.memory_space<semaphore_mem>>
          %dma_start3A = tpu.memref_slice %arg3[%multiple_of3A] : memref<320000xi32, #tpu.memory_space<hbm>> -> memref<128xi32, #tpu.memory_space<hbm>>
          %dma_start3A_27 = tpu.memref_slice %arg3[%multiple_of3A] : memref<320000xi32, #tpu.memory_space<hbm>> -> memref<128xi32, #tpu.memory_space<hbm>>
          tpu.enqueue_dma source(%dma_start3A_27 : memref<128xi32, #tpu.memory_space<hbm>>) target(%arg8 : memref<128xi32, #tpu.memory_space<vmem>>) target_semaphore(%run_scoped3A : memref<!tpu.dma_semaphore, #tpu.memory_space<semaphore_mem>>)
          %dma_wait3A = tpu.memref_slice %arg3[%multiple_of3A] : memref<320000xi32, #tpu.memory_space<hbm>> -> memref<128xi32, #tpu.memory_space<hbm>>
          %dma_wait3A_28 = tpu.memref_slice %arg3[%multiple_of3A] : memref<320000xi32, #tpu.memory_space<hbm>> -> memref<128xi32, #tpu.memory_space<hbm>>
          tpu.wait_dma2 semaphore(%run_scoped3A : memref<!tpu.dma_semaphore, #tpu.memory_space<semaphore_mem>>) src(%dma_wait3A_28 : memref<128xi32, #tpu.memory_space<hbm>>) dst(%arg8 : memref<128xi32, #tpu.memory_space<vmem>>)
          tpu.yield
        }) : () -> ()
        "tpu.region"() ({
          %run_scoped3A = tpu.sem_alloc : memref<!tpu.dma_semaphore, #tpu.memory_space<semaphore_mem>>
          %dma_start3A = arith.constant 0 : i32
          %dma_start3A_27 = tpu.memref_slice %arg2[%mul3A_23, %dma_start3A] : memref<160000x128xf32, #tpu.memory_space<hbm>> -> memref<128x128xf32, #tpu.memory_space<hbm>>
          %dma_start3A_28 = arith.constant 0 : i32
          %dma_start3A_29 = tpu.memref_slice %arg2[%mul3A_23, %dma_start3A_28] : memref<160000x128xf32, #tpu.memory_space<hbm>> -> memref<128x128xf32, #tpu.memory_space<hbm>>
          tpu.enqueue_dma source(%dma_start3A_29 : memref<128x128xf32, #tpu.memory_space<hbm>>) target(%arg9 : memref<128x128xf32, #tpu.memory_space<vmem>>) target_semaphore(%run_scoped3A : memref<!tpu.dma_semaphore, #tpu.memory_space<semaphore_mem>>)
          %dma_wait3A = arith.constant 0 : i32
          %dma_wait3A_30 = tpu.memref_slice %arg2[%mul3A_23, %dma_wait3A] : memref<160000x128xf32, #tpu.memory_space<hbm>> -> memref<128x128xf32, #tpu.memory_space<hbm>>
          %dma_wait3A_31 = arith.constant 0 : i32
          %dma_wait3A_32 = tpu.memref_slice %arg2[%mul3A_23, %dma_wait3A_31] : memref<160000x128xf32, #tpu.memory_space<hbm>> -> memref<128x128xf32, #tpu.memory_space<hbm>>
          tpu.wait_dma2 semaphore(%run_scoped3A : memref<!tpu.dma_semaphore, #tpu.memory_space<semaphore_mem>>) src(%dma_wait3A_32 : memref<128x128xf32, #tpu.memory_space<hbm>>) dst(%arg9 : memref<128x128xf32, #tpu.memory_space<vmem>>)
          tpu.yield
        }) : () -> ()
        "tpu.region"() ({
          %run_scoped3A = tpu.sem_alloc : memref<!tpu.dma_semaphore, #tpu.memory_space<semaphore_mem>>
          %dma_start3A = arith.constant 0 : i32
          %dma_start3A_27 = arith.constant 0 : i32
          %dma_start3A_28 = tpu.memref_slice %arg11[%dma_start3A, %dma_start3A_27] : memref<5120x128xf32, #tpu.memory_space<vmem_shared>> -> memref<5120x128xf32, #tpu.memory_space<vmem_shared>>
          tpu.enqueue_indirect_dma source(%arg9 : memref<128x128xf32, #tpu.memory_space<vmem>>) target(%dma_start3A_28 : memref<5120x128xf32, #tpu.memory_space<vmem_shared>>) offsets(%arg8 : memref<128xi32, #tpu.memory_space<vmem>>) semaphore(%run_scoped3A : memref<!tpu.dma_semaphore, #tpu.memory_space<semaphore_mem>>) {add = true}
          %dma_wait3A = arith.constant 0 : i32
          %dma_wait3A_29 = arith.constant 0 : i32
          %dma_wait3A_30 = tpu.memref_slice %arg11[%dma_wait3A, %dma_wait3A_29] : memref<5120x128xf32, #tpu.memory_space<vmem_shared>> -> memref<5120x128xf32, #tpu.memory_space<vmem_shared>>
          tpu.wait_indirect_dma semaphore(%run_scoped3A : memref<!tpu.dma_semaphore, #tpu.memory_space<semaphore_mem>>) src(%arg9 : memref<128x128xf32, #tpu.memory_space<vmem>>) dst(%dma_wait3A_30 : memref<5120x128xf32, #tpu.memory_space<vmem_shared>>)
          tpu.yield
        }) : () -> ()
        "tpu.region"() ({
          %run_scoped3A = tpu.sem_alloc : memref<!tpu.dma_semaphore, #tpu.memory_space<semaphore_mem>>
          %dma_start3A = arith.constant 0 : i32
          %dma_start3A_27 = arith.constant 0 : i32
          %dma_start3A_28 = tpu.memref_slice %arg12[%dma_start3A, %dma_start3A_27] : memref<5120x128xf32, #tpu.memory_space<vmem_shared>> -> memref<5120x128xf32, #tpu.memory_space<vmem_shared>>
          tpu.enqueue_indirect_dma source(%arg10 : memref<128x128xf32, #tpu.memory_space<vmem>>) target(%dma_start3A_28 : memref<5120x128xf32, #tpu.memory_space<vmem_shared>>) offsets(%arg8 : memref<128xi32, #tpu.memory_space<vmem>>) semaphore(%run_scoped3A : memref<!tpu.dma_semaphore, #tpu.memory_space<semaphore_mem>>) {add = true}
          %dma_wait3A = arith.constant 0 : i32
          %dma_wait3A_29 = arith.constant 0 : i32
          %dma_wait3A_30 = tpu.memref_slice %arg12[%dma_wait3A, %dma_wait3A_29] : memref<5120x128xf32, #tpu.memory_space<vmem_shared>> -> memref<5120x128xf32, #tpu.memory_space<vmem_shared>>
          tpu.wait_indirect_dma semaphore(%run_scoped3A : memref<!tpu.dma_semaphore, #tpu.memory_space<semaphore_mem>>) src(%arg10 : memref<128x128xf32, #tpu.memory_space<vmem>>) dst(%dma_wait3A_30 : memref<5120x128xf32, #tpu.memory_space<vmem_shared>>)
          tpu.yield
        }) : () -> ()
      } else {
      }
    }
    %scan3A_10 = arith.constant 79 : i32
    %barrier3A_11 = arith.constant 0 : index
    tpu.barrier barrier_id(%barrier3A_11)
    %scan3A_12 = arith.constant 0 : i32
    %scan3A_13 = arith.constant 0 : i32
    %scan3A_14 = arith.constant 3 : i32
    %scan3A_15 = arith.addi %scan3A_13, %scan3A_14 : i32
    %scan3A_16 = arith.constant 1 : i32
    scf.for %scan3A_18 = %scan3A_13 to %scan3A_15 step %scan3A_16  : i32 {
      %mul3A = arith.constant 16 : i32
      %mul3A_19 = arith.muli %scan3A_18, %mul3A : i32
      %add3A = arith.addi %arg1, %mul3A_19 : i32
      %lt3A = arith.constant 40 : i32
      %lt3A_20 = arith.cmpi slt, %add3A, %lt3A : i32
      %convert_element_type3A = arith.extui %lt3A_20 : i1 to i32
      %cond3A = arith.constant 0 : i32
      %cond3A_21 = arith.cmpi ne, %convert_element_type3A, %cond3A : i32
      scf.if %cond3A_21 {
        %mul3A_22 = arith.constant 128 : i32
        %mul3A_23 = arith.muli %add3A, %mul3A_22 : i32
        "tpu.region"() ({
          %run_scoped3A = tpu.sem_alloc : memref<!tpu.dma_semaphore, #tpu.memory_space<semaphore_mem>>
          %dma_start3A = arith.constant 0 : i32
          %dma_start3A_24 = tpu.memref_slice %arg11[%mul3A_23, %dma_start3A] : memref<5120x128xf32, #tpu.memory_space<vmem_shared>> -> memref<128x128xf32, #tpu.memory_space<vmem_shared>>
          %dma_start3A_25 = arith.constant 0 : i32
          %dma_start3A_26 = tpu.memref_slice %arg11[%mul3A_23, %dma_start3A_25] : memref<5120x128xf32, #tpu.memory_space<vmem_shared>> -> memref<128x128xf32, #tpu.memory_space<vmem_shared>>
          tpu.enqueue_dma source(%dma_start3A_26 : memref<128x128xf32, #tpu.memory_space<vmem_shared>>) target(%arg9 : memref<128x128xf32, #tpu.memory_space<vmem>>) target_semaphore(%run_scoped3A : memref<!tpu.dma_semaphore, #tpu.memory_space<semaphore_mem>>)
          %dma_wait3A = arith.constant 0 : i32
          %dma_wait3A_27 = tpu.memref_slice %arg11[%mul3A_23, %dma_wait3A] : memref<5120x128xf32, #tpu.memory_space<vmem_shared>> -> memref<128x128xf32, #tpu.memory_space<vmem_shared>>
          %dma_wait3A_28 = arith.constant 0 : i32
          %dma_wait3A_29 = tpu.memref_slice %arg11[%mul3A_23, %dma_wait3A_28] : memref<5120x128xf32, #tpu.memory_space<vmem_shared>> -> memref<128x128xf32, #tpu.memory_space<vmem_shared>>
          tpu.wait_dma2 semaphore(%run_scoped3A : memref<!tpu.dma_semaphore, #tpu.memory_space<semaphore_mem>>) src(%dma_wait3A_29 : memref<128x128xf32, #tpu.memory_space<vmem_shared>>) dst(%arg9 : memref<128x128xf32, #tpu.memory_space<vmem>>)
          tpu.yield
        }) : () -> ()
        "tpu.region"() ({
          %run_scoped3A = tpu.sem_alloc : memref<!tpu.dma_semaphore, #tpu.memory_space<semaphore_mem>>
          %dma_start3A = arith.constant 0 : i32
          %dma_start3A_24 = tpu.memref_slice %arg6[%arg0, %mul3A_23, %dma_start3A] : memref<2x5120x128xf32, #tpu.memory_space<hbm>> -> memref<1x128x128xf32, #tpu.memory_space<hbm>>
          %dma_start3A_25 = tpu.memref_squeeze %dma_start3A_24 : memref<1x128x128xf32, #tpu.memory_space<hbm>> -> memref<128x128xf32, #tpu.memory_space<hbm>>
          %dma_start3A_26 = arith.constant 0 : i32
          %dma_start3A_27 = tpu.memref_slice %arg6[%arg0, %mul3A_23, %dma_start3A_26] : memref<2x5120x128xf32, #tpu.memory_space<hbm>> -> memref<1x128x128xf32, #tpu.memory_space<hbm>>
          %dma_start3A_28 = tpu.memref_squeeze %dma_start3A_27 : memref<1x128x128xf32, #tpu.memory_space<hbm>> -> memref<128x128xf32, #tpu.memory_space<hbm>>
          tpu.enqueue_dma source(%arg9 : memref<128x128xf32, #tpu.memory_space<vmem>>) target(%dma_start3A_28 : memref<128x128xf32, #tpu.memory_space<hbm>>) target_semaphore(%run_scoped3A : memref<!tpu.dma_semaphore, #tpu.memory_space<semaphore_mem>>)
          %dma_wait3A = arith.constant 0 : i32
          %dma_wait3A_29 = tpu.memref_slice %arg6[%arg0, %mul3A_23, %dma_wait3A] : memref<2x5120x128xf32, #tpu.memory_space<hbm>> -> memref<1x128x128xf32, #tpu.memory_space<hbm>>
          %dma_wait3A_30 = tpu.memref_squeeze %dma_wait3A_29 : memref<1x128x128xf32, #tpu.memory_space<hbm>> -> memref<128x128xf32, #tpu.memory_space<hbm>>
          %dma_wait3A_31 = arith.constant 0 : i32
          %dma_wait3A_32 = tpu.memref_slice %arg6[%arg0, %mul3A_23, %dma_wait3A_31] : memref<2x5120x128xf32, #tpu.memory_space<hbm>> -> memref<1x128x128xf32, #tpu.memory_space<hbm>>
          %dma_wait3A_33 = tpu.memref_squeeze %dma_wait3A_32 : memref<1x128x128xf32, #tpu.memory_space<hbm>> -> memref<128x128xf32, #tpu.memory_space<hbm>>
          tpu.wait_dma2 semaphore(%run_scoped3A : memref<!tpu.dma_semaphore, #tpu.memory_space<semaphore_mem>>) src(%arg9 : memref<128x128xf32, #tpu.memory_space<vmem>>) dst(%dma_wait3A_33 : memref<128x128xf32, #tpu.memory_space<hbm>>)
          tpu.yield
        }) : () -> ()
        "tpu.region"() ({
          %run_scoped3A = tpu.sem_alloc : memref<!tpu.dma_semaphore, #tpu.memory_space<semaphore_mem>>
          %dma_start3A = arith.constant 0 : i32
          %dma_start3A_24 = tpu.memref_slice %arg12[%mul3A_23, %dma_start3A] : memref<5120x128xf32, #tpu.memory_space<vmem_shared>> -> memref<128x128xf32, #tpu.memory_space<vmem_shared>>
          %dma_start3A_25 = arith.constant 0 : i32
          %dma_start3A_26 = tpu.memref_slice %arg12[%mul3A_23, %dma_start3A_25] : memref<5120x128xf32, #tpu.memory_space<vmem_shared>> -> memref<128x128xf32, #tpu.memory_space<vmem_shared>>
          tpu.enqueue_dma source(%dma_start3A_26 : memref<128x128xf32, #tpu.memory_space<vmem_shared>>) target(%arg9 : memref<128x128xf32, #tpu.memory_space<vmem>>) target_semaphore(%run_scoped3A : memref<!tpu.dma_semaphore, #tpu.memory_space<semaphore_mem>>)
          %dma_wait3A = arith.constant 0 : i32
          %dma_wait3A_27 = tpu.memref_slice %arg12[%mul3A_23, %dma_wait3A] : memref<5120x128xf32, #tpu.memory_space<vmem_shared>> -> memref<128x128xf32, #tpu.memory_space<vmem_shared>>
          %dma_wait3A_28 = arith.constant 0 : i32
          %dma_wait3A_29 = tpu.memref_slice %arg12[%mul3A_23, %dma_wait3A_28] : memref<5120x128xf32, #tpu.memory_space<vmem_shared>> -> memref<128x128xf32, #tpu.memory_space<vmem_shared>>
          tpu.wait_dma2 semaphore(%run_scoped3A : memref<!tpu.dma_semaphore, #tpu.memory_space<semaphore_mem>>) src(%dma_wait3A_29 : memref<128x128xf32, #tpu.memory_space<vmem_shared>>) dst(%arg9 : memref<128x128xf32, #tpu.memory_space<vmem>>)
          tpu.yield
        }) : () -> ()
        "tpu.region"() ({
          %run_scoped3A = tpu.sem_alloc : memref<!tpu.dma_semaphore, #tpu.memory_space<semaphore_mem>>
          %dma_start3A = arith.constant 0 : i32
          %dma_start3A_24 = tpu.memref_slice %arg7[%arg0, %mul3A_23, %dma_start3A] : memref<2x5120x128xf32, #tpu.memory_space<hbm>> -> memref<1x128x128xf32, #tpu.memory_space<hbm>>
          %dma_start3A_25 = tpu.memref_squeeze %dma_start3A_24 : memref<1x128x128xf32, #tpu.memory_space<hbm>> -> memref<128x128xf32, #tpu.memory_space<hbm>>
          %dma_start3A_26 = arith.constant 0 : i32
          %dma_start3A_27 = tpu.memref_slice %arg7[%arg0, %mul3A_23, %dma_start3A_26] : memref<2x5120x128xf32, #tpu.memory_space<hbm>> -> memref<1x128x128xf32, #tpu.memory_space<hbm>>
          %dma_start3A_28 = tpu.memref_squeeze %dma_start3A_27 : memref<1x128x128xf32, #tpu.memory_space<hbm>> -> memref<128x128xf32, #tpu.memory_space<hbm>>
          tpu.enqueue_dma source(%arg9 : memref<128x128xf32, #tpu.memory_space<vmem>>) target(%dma_start3A_28 : memref<128x128xf32, #tpu.memory_space<hbm>>) target_semaphore(%run_scoped3A : memref<!tpu.dma_semaphore, #tpu.memory_space<semaphore_mem>>)
          %dma_wait3A = arith.constant 0 : i32
          %dma_wait3A_29 = tpu.memref_slice %arg7[%arg0, %mul3A_23, %dma_wait3A] : memref<2x5120x128xf32, #tpu.memory_space<hbm>> -> memref<1x128x128xf32, #tpu.memory_space<hbm>>
          %dma_wait3A_30 = tpu.memref_squeeze %dma_wait3A_29 : memref<1x128x128xf32, #tpu.memory_space<hbm>> -> memref<128x128xf32, #tpu.memory_space<hbm>>
          %dma_wait3A_31 = arith.constant 0 : i32
          %dma_wait3A_32 = tpu.memref_slice %arg7[%arg0, %mul3A_23, %dma_wait3A_31] : memref<2x5120x128xf32, #tpu.memory_space<hbm>> -> memref<1x128x128xf32, #tpu.memory_space<hbm>>
          %dma_wait3A_33 = tpu.memref_squeeze %dma_wait3A_32 : memref<1x128x128xf32, #tpu.memory_space<hbm>> -> memref<128x128xf32, #tpu.memory_space<hbm>>
          tpu.wait_dma2 semaphore(%run_scoped3A : memref<!tpu.dma_semaphore, #tpu.memory_space<semaphore_mem>>) src(%arg9 : memref<128x128xf32, #tpu.memory_space<vmem>>) dst(%dma_wait3A_33 : memref<128x128xf32, #tpu.memory_space<hbm>>)
          tpu.yield
        }) : () -> ()
      } else {
      }
    }
    %scan3A_17 = arith.constant 3 : i32
    return
  }
}

#map = affine_map<(d0, d1) -> (0, 0)>
#map1 = affine_map<(d0, d1) -> (0)>
module attributes {stable_mosaic.version = 14 : i64} {
  func.func @_gather_body(%arg0: i32, %arg1: i32, %arg2: memref<10000x128xf32, #tpu.memory_space<hbm>>, %arg3: memref<160000xi32, #tpu.memory_space<hbm>>, %arg4: memref<160000xi32, #tpu.memory_space<hbm>>, %arg5: memref<160000x128xf32, #tpu.memory_space<hbm>>, %arg6: memref<160000x128xf32, #tpu.memory_space<hbm>>, %arg7: memref<128xi32, #tpu.memory_space<vmem>>, %arg8: memref<128xi32, #tpu.memory_space<vmem>>, %arg9: memref<128x128xf32, #tpu.memory_space<vmem>>, %arg10: memref<128x128xf32, #tpu.memory_space<vmem>>, %arg11: memref<!tpu.dma_semaphore, #tpu.memory_space<semaphore_mem>>, %arg12: memref<!tpu.dma_semaphore, #tpu.memory_space<semaphore_mem>>) attributes {dimension_semantics = [#tpu.dimension_semantics<core_parallel>, #tpu.dimension_semantics<subcore_parallel>], iteration_bounds = array<i64: 2, 16>, scalar_prefetch = 0 : i64, scratch_operands = 6 : i64, tpu.core_type = #tpu.core_type<sc_vector_subcore>, window_params = [{transform_indices = #map}, {transform_indices = #map1}, {transform_indices = #map1}, {transform_indices = #map}, {transform_indices = #map}]} {
    %mul3A = arith.constant 2 : i32
    %mul3A_0 = arith.muli %arg1, %mul3A : i32
    %add3A = arith.addi %mul3A_0, %arg0 : i32
    %scan3A = arith.constant 0 : i32
    %scan3A_1 = arith.constant 0 : i32
    %scan3A_2 = arith.constant 40 : i32
    %scan3A_3 = arith.addi %scan3A_1, %scan3A_2 : i32
    %scan3A_4 = arith.constant 1 : i32
    scf.for %scan3A_6 = %scan3A_1 to %scan3A_3 step %scan3A_4  : i32 {
      %mul3A_7 = arith.constant 32 : i32
      %mul3A_8 = arith.muli %scan3A_6, %mul3A_7 : i32
      %add3A_9 = arith.addi %add3A, %mul3A_8 : i32
      %lt3A = arith.constant 1250 : i32
      %lt3A_10 = arith.cmpi slt, %add3A_9, %lt3A : i32
      %convert_element_type3A = arith.extui %lt3A_10 : i1 to i32
      %cond3A = arith.constant 0 : i32
      %cond3A_11 = arith.cmpi ne, %convert_element_type3A, %cond3A : i32
      scf.if %cond3A_11 {
        %mul3A_12 = arith.constant 128 : i32
        %mul3A_13 = arith.muli %add3A_9, %mul3A_12 : i32
        "tpu.region"() ({
          %run_scoped3A = tpu.sem_alloc : memref<!tpu.dma_semaphore, #tpu.memory_space<semaphore_mem>>
          %dma_start3A_24 = tpu.memref_slice %arg3[%mul3A_13] : memref<160000xi32, #tpu.memory_space<hbm>> -> memref<128xi32, #tpu.memory_space<hbm>>
          %dma_start3A_25 = tpu.memref_slice %arg3[%mul3A_13] : memref<160000xi32, #tpu.memory_space<hbm>> -> memref<128xi32, #tpu.memory_space<hbm>>
          tpu.enqueue_dma source(%dma_start3A_25 : memref<128xi32, #tpu.memory_space<hbm>>) target(%arg7 : memref<128xi32, #tpu.memory_space<vmem>>) target_semaphore(%run_scoped3A : memref<!tpu.dma_semaphore, #tpu.memory_space<semaphore_mem>>)
          %dma_wait3A_26 = tpu.memref_slice %arg3[%mul3A_13] : memref<160000xi32, #tpu.memory_space<hbm>> -> memref<128xi32, #tpu.memory_space<hbm>>
          %dma_wait3A_27 = tpu.memref_slice %arg3[%mul3A_13] : memref<160000xi32, #tpu.memory_space<hbm>> -> memref<128xi32, #tpu.memory_space<hbm>>
          tpu.wait_dma2 semaphore(%run_scoped3A : memref<!tpu.dma_semaphore, #tpu.memory_space<semaphore_mem>>) src(%dma_wait3A_27 : memref<128xi32, #tpu.memory_space<hbm>>) dst(%arg7 : memref<128xi32, #tpu.memory_space<vmem>>)
          tpu.yield
        }) : () -> ()
        "tpu.region"() ({
          %run_scoped3A = tpu.sem_alloc : memref<!tpu.dma_semaphore, #tpu.memory_space<semaphore_mem>>
          %dma_start3A_24 = tpu.memref_slice %arg4[%mul3A_13] : memref<160000xi32, #tpu.memory_space<hbm>> -> memref<128xi32, #tpu.memory_space<hbm>>
          %dma_start3A_25 = tpu.memref_slice %arg4[%mul3A_13] : memref<160000xi32, #tpu.memory_space<hbm>> -> memref<128xi32, #tpu.memory_space<hbm>>
          tpu.enqueue_dma source(%dma_start3A_25 : memref<128xi32, #tpu.memory_space<hbm>>) target(%arg8 : memref<128xi32, #tpu.memory_space<vmem>>) target_semaphore(%run_scoped3A : memref<!tpu.dma_semaphore, #tpu.memory_space<semaphore_mem>>)
          %dma_wait3A_26 = tpu.memref_slice %arg4[%mul3A_13] : memref<160000xi32, #tpu.memory_space<hbm>> -> memref<128xi32, #tpu.memory_space<hbm>>
          %dma_wait3A_27 = tpu.memref_slice %arg4[%mul3A_13] : memref<160000xi32, #tpu.memory_space<hbm>> -> memref<128xi32, #tpu.memory_space<hbm>>
          tpu.wait_dma2 semaphore(%run_scoped3A : memref<!tpu.dma_semaphore, #tpu.memory_space<semaphore_mem>>) src(%dma_wait3A_27 : memref<128xi32, #tpu.memory_space<hbm>>) dst(%arg8 : memref<128xi32, #tpu.memory_space<vmem>>)
          tpu.yield
        }) : () -> ()
        %dma_start3A = arith.constant 0 : i32
        %dma_start3A_14 = arith.constant 0 : i32
        %dma_start3A_15 = tpu.memref_slice %arg2[%dma_start3A, %dma_start3A_14] : memref<10000x128xf32, #tpu.memory_space<hbm>> -> memref<10000x128xf32, #tpu.memory_space<hbm>>
        tpu.enqueue_indirect_dma source(%dma_start3A_15 : memref<10000x128xf32, #tpu.memory_space<hbm>>) target(%arg9 : memref<128x128xf32, #tpu.memory_space<vmem>>) offsets(%arg7 : memref<128xi32, #tpu.memory_space<vmem>>) semaphore(%arg11 : memref<!tpu.dma_semaphore, #tpu.memory_space<semaphore_mem>>)
        %dma_start3A_16 = arith.constant 0 : i32
        %dma_start3A_17 = arith.constant 0 : i32
        %dma_start3A_18 = tpu.memref_slice %arg2[%dma_start3A_16, %dma_start3A_17] : memref<10000x128xf32, #tpu.memory_space<hbm>> -> memref<10000x128xf32, #tpu.memory_space<hbm>>
        tpu.enqueue_indirect_dma source(%dma_start3A_18 : memref<10000x128xf32, #tpu.memory_space<hbm>>) target(%arg10 : memref<128x128xf32, #tpu.memory_space<vmem>>) offsets(%arg8 : memref<128xi32, #tpu.memory_space<vmem>>) semaphore(%arg12 : memref<!tpu.dma_semaphore, #tpu.memory_space<semaphore_mem>>)
        %dma_wait3A = arith.constant 0 : i32
        %dma_wait3A_19 = arith.constant 0 : i32
        %dma_wait3A_20 = tpu.memref_slice %arg2[%dma_wait3A, %dma_wait3A_19] : memref<10000x128xf32, #tpu.memory_space<hbm>> -> memref<10000x128xf32, #tpu.memory_space<hbm>>
        tpu.wait_indirect_dma semaphore(%arg11 : memref<!tpu.dma_semaphore, #tpu.memory_space<semaphore_mem>>) src(%dma_wait3A_20 : memref<10000x128xf32, #tpu.memory_space<hbm>>) dst(%arg9 : memref<128x128xf32, #tpu.memory_space<vmem>>)
        %dma_wait3A_21 = arith.constant 0 : i32
        %dma_wait3A_22 = arith.constant 0 : i32
        %dma_wait3A_23 = tpu.memref_slice %arg2[%dma_wait3A_21, %dma_wait3A_22] : memref<10000x128xf32, #tpu.memory_space<hbm>> -> memref<10000x128xf32, #tpu.memory_space<hbm>>
        tpu.wait_indirect_dma semaphore(%arg12 : memref<!tpu.dma_semaphore, #tpu.memory_space<semaphore_mem>>) src(%dma_wait3A_23 : memref<10000x128xf32, #tpu.memory_space<hbm>>) dst(%arg10 : memref<128x128xf32, #tpu.memory_space<vmem>>)
        "tpu.region"() ({
          %run_scoped3A = tpu.sem_alloc : memref<!tpu.dma_semaphore, #tpu.memory_space<semaphore_mem>>
          %dma_start3A_24 = arith.constant 0 : i32
          %dma_start3A_25 = tpu.memref_slice %arg5[%mul3A_13, %dma_start3A_24] : memref<160000x128xf32, #tpu.memory_space<hbm>> -> memref<128x128xf32, #tpu.memory_space<hbm>>
          %dma_start3A_26 = arith.constant 0 : i32
          %dma_start3A_27 = tpu.memref_slice %arg5[%mul3A_13, %dma_start3A_26] : memref<160000x128xf32, #tpu.memory_space<hbm>> -> memref<128x128xf32, #tpu.memory_space<hbm>>
          tpu.enqueue_dma source(%arg9 : memref<128x128xf32, #tpu.memory_space<vmem>>) target(%dma_start3A_27 : memref<128x128xf32, #tpu.memory_space<hbm>>) target_semaphore(%run_scoped3A : memref<!tpu.dma_semaphore, #tpu.memory_space<semaphore_mem>>)
          %dma_wait3A_28 = arith.constant 0 : i32
          %dma_wait3A_29 = tpu.memref_slice %arg5[%mul3A_13, %dma_wait3A_28] : memref<160000x128xf32, #tpu.memory_space<hbm>> -> memref<128x128xf32, #tpu.memory_space<hbm>>
          %dma_wait3A_30 = arith.constant 0 : i32
          %dma_wait3A_31 = tpu.memref_slice %arg5[%mul3A_13, %dma_wait3A_30] : memref<160000x128xf32, #tpu.memory_space<hbm>> -> memref<128x128xf32, #tpu.memory_space<hbm>>
          tpu.wait_dma2 semaphore(%run_scoped3A : memref<!tpu.dma_semaphore, #tpu.memory_space<semaphore_mem>>) src(%arg9 : memref<128x128xf32, #tpu.memory_space<vmem>>) dst(%dma_wait3A_31 : memref<128x128xf32, #tpu.memory_space<hbm>>)
          tpu.yield
        }) : () -> ()
        "tpu.region"() ({
          %run_scoped3A = tpu.sem_alloc : memref<!tpu.dma_semaphore, #tpu.memory_space<semaphore_mem>>
          %dma_start3A_24 = arith.constant 0 : i32
          %dma_start3A_25 = tpu.memref_slice %arg6[%mul3A_13, %dma_start3A_24] : memref<160000x128xf32, #tpu.memory_space<hbm>> -> memref<128x128xf32, #tpu.memory_space<hbm>>
          %dma_start3A_26 = arith.constant 0 : i32
          %dma_start3A_27 = tpu.memref_slice %arg6[%mul3A_13, %dma_start3A_26] : memref<160000x128xf32, #tpu.memory_space<hbm>> -> memref<128x128xf32, #tpu.memory_space<hbm>>
          tpu.enqueue_dma source(%arg10 : memref<128x128xf32, #tpu.memory_space<vmem>>) target(%dma_start3A_27 : memref<128x128xf32, #tpu.memory_space<hbm>>) target_semaphore(%run_scoped3A : memref<!tpu.dma_semaphore, #tpu.memory_space<semaphore_mem>>)
          %dma_wait3A_28 = arith.constant 0 : i32
          %dma_wait3A_29 = tpu.memref_slice %arg6[%mul3A_13, %dma_wait3A_28] : memref<160000x128xf32, #tpu.memory_space<hbm>> -> memref<128x128xf32, #tpu.memory_space<hbm>>
          %dma_wait3A_30 = arith.constant 0 : i32
          %dma_wait3A_31 = tpu.memref_slice %arg6[%mul3A_13, %dma_wait3A_30] : memref<160000x128xf32, #tpu.memory_space<hbm>> -> memref<128x128xf32, #tpu.memory_space<hbm>>
          tpu.wait_dma2 semaphore(%run_scoped3A : memref<!tpu.dma_semaphore, #tpu.memory_space<semaphore_mem>>) src(%arg10 : memref<128x128xf32, #tpu.memory_space<vmem>>) dst(%dma_wait3A_31 : memref<128x128xf32, #tpu.memory_space<hbm>>)
          tpu.yield
        }) : () -> ()
      } else {
      }
    }
    %scan3A_5 = arith.constant 40 : i32
    return
  }
}

module attributes {stable_mosaic.version = 14 : i64} {
  func.func @_ln_body(%arg0: i32, %arg1: memref<2000x128xf32, #tpu.memory_space<vmem>>, %arg2: memref<1x128xf32, #tpu.memory_space<vmem>>, %arg3: memref<1x128xf32, #tpu.memory_space<vmem>>, %arg4: memref<2000x128xf32, #tpu.memory_space<vmem>>) attributes {dimension_semantics = [#tpu.dimension_semantics<arbitrary>], iteration_bounds = array<i64: 5>, scalar_prefetch = 0 : i64, scratch_operands = 0 : i64, tpu.core_type = #tpu.core_type<tc>, window_params = [{transform_indices = @transform_0, window_bounds = array<i64: 2000, 128>}, {pipeline_mode = #tpu.pipeline_mode<synchronous>, transform_indices = @transform_1, window_bounds = array<i64: 1, 128>}, {pipeline_mode = #tpu.pipeline_mode<synchronous>, transform_indices = @transform_2, window_bounds = array<i64: 1, 128>}, {transform_indices = @transform_3, window_bounds = array<i64: 2000, 128>}]} {
    %get3A = arith.constant 0 : index
    %get3A_0 = arith.constant 0 : index
    %get3A_1 = vector.load %arg1[%get3A, %get3A_0] : memref<2000x128xf32, #tpu.memory_space<vmem>>, vector<2000x128xf32>
    %get3A_2 = arith.constant 0 : index
    %get3A_3 = arith.constant 0 : index
    %get3A_4 = vector.load %arg2[%get3A_2, %get3A_3] : memref<1x128xf32, #tpu.memory_space<vmem>>, vector<1x128xf32>
    %get3A_5 = arith.constant 0 : index
    %get3A_6 = arith.constant 0 : index
    %get3A_7 = vector.load %arg3[%get3A_5, %get3A_6] : memref<1x128xf32, #tpu.memory_space<vmem>>, vector<1x128xf32>
    %reduce_sum3A = arith.constant dense<0.000000e+00> : vector<2000xf32>
    %reduce_sum3A_8 = vector.multi_reduction <add>, %get3A_1, %reduce_sum3A [1] : vector<2000x128xf32> to vector<2000xf32>
    %broadcast_in_dim3A = vector.shape_cast %reduce_sum3A_8 : vector<2000xf32> to vector<2000x1xf32>
    %div3A = arith.constant 1.280000e+02 : f32
    %div3A_9 = vector.broadcast %div3A : f32 to vector<2000x1xf32>
    %div3A_10 = arith.divf %broadcast_in_dim3A, %div3A_9 : vector<2000x1xf32>
    %sub3A = vector.broadcast %div3A_10 : vector<2000x1xf32> to vector<2000x128xf32>
    %sub3A_11 = arith.subf %get3A_1, %sub3A : vector<2000x128xf32>
    %integer_pow3A = arith.mulf %sub3A_11, %sub3A_11 : vector<2000x128xf32>
    %reduce_sum3A_12 = arith.constant dense<0.000000e+00> : vector<2000xf32>
    %reduce_sum3A_13 = vector.multi_reduction <add>, %integer_pow3A, %reduce_sum3A_12 [1] : vector<2000x128xf32> to vector<2000xf32>
    %broadcast_in_dim3A_14 = vector.shape_cast %reduce_sum3A_13 : vector<2000xf32> to vector<2000x1xf32>
    %div3A_15 = arith.constant 1.280000e+02 : f32
    %div3A_16 = vector.broadcast %div3A_15 : f32 to vector<2000x1xf32>
    %div3A_17 = arith.divf %broadcast_in_dim3A_14, %div3A_16 : vector<2000x1xf32>
    %sub3A_18 = vector.broadcast %div3A_10 : vector<2000x1xf32> to vector<2000x128xf32>
    %sub3A_19 = arith.subf %get3A_1, %sub3A_18 : vector<2000x128xf32>
    %add3A = arith.constant 9.99999974E-6 : f32
    %add3A_20 = vector.broadcast %add3A : f32 to vector<2000x1xf32>
    %add3A_21 = arith.addf %div3A_17, %add3A_20 : vector<2000x1xf32>
    %rsqrt3A = math.rsqrt %add3A_21 : vector<2000x1xf32>
    %mul3A = vector.broadcast %rsqrt3A : vector<2000x1xf32> to vector<2000x128xf32>
    %mul3A_22 = arith.mulf %sub3A_19, %mul3A : vector<2000x128xf32>
    %mul3A_23 = vector.broadcast %get3A_4 : vector<1x128xf32> to vector<2000x128xf32>
    %mul3A_24 = arith.mulf %mul3A_22, %mul3A_23 : vector<2000x128xf32>
    %add3A_25 = vector.broadcast %get3A_7 : vector<1x128xf32> to vector<2000x128xf32>
    %add3A_26 = arith.addf %mul3A_24, %add3A_25 : vector<2000x128xf32>
    %swap3A = arith.constant 0 : index
    %swap3A_27 = arith.constant 0 : index
    %swap3A_28 = vector.load %arg4[%swap3A, %swap3A_27] : memref<2000x128xf32, #tpu.memory_space<vmem>>, vector<2000x128xf32>
    tpu.vector_store %arg4[%swap3A, %swap3A_27], %add3A_26 {strides = array<i32>} : memref<2000x128xf32, #tpu.memory_space<vmem>>, vector<2000x128xf32>,
    return
  }
  func.func @transform_0(%arg0: i32) -> (i32, i32) {
    %c0_i32 = arith.constant 0 : i32
    %c0_i32_0 = arith.constant 0 : i32
    return %arg0, %c0_i32 : i32, i32
  }
  func.func @transform_1(%arg0: i32) -> (i32, i32) {
    %c0_i32 = arith.constant 0 : i32
    %c0_i32_0 = arith.constant 0 : i32
    %c0_i32_1 = arith.constant 0 : i32
    return %c0_i32, %c0_i32_0 : i32, i32
  }
  func.func @transform_2(%arg0: i32) -> (i32, i32) {
    %c0_i32 = arith.constant 0 : i32
    %c0_i32_0 = arith.constant 0 : i32
    %c0_i32_1 = arith.constant 0 : i32
    return %c0_i32, %c0_i32_0 : i32, i32
  }
  func.func @transform_3(%arg0: i32) -> (i32, i32) {
    %c0_i32 = arith.constant 0 : i32
    %c0_i32_0 = arith.constant 0 : i32
    return %arg0, %c0_i32 : i32, i32
  }
}

module attributes {stable_mosaic.version = 14 : i64} {
  func.func @_edge_body(%arg0: i32, %arg1: memref<2000x128xf32, #tpu.memory_space<vmem>>, %arg2: memref<2000x128xf32, #tpu.memory_space<vmem>>, %arg3: memref<2000x16xf32, #tpu.memory_space<vmem>>, %arg4: memref<128x768xbf16, #tpu.memory_space<vmem>>, %arg5: memref<128x768xbf16, #tpu.memory_space<vmem>>, %arg6: memref<16x768xbf16, #tpu.memory_space<vmem>>, %arg7: memref<1x768xf32, #tpu.memory_space<vmem>>, %arg8: memref<256x128xbf16, #tpu.memory_space<vmem>>, %arg9: memref<1x128xf32, #tpu.memory_space<vmem>>, %arg10: memref<256x128xbf16, #tpu.memory_space<vmem>>, %arg11: memref<1x128xf32, #tpu.memory_space<vmem>>, %arg12: memref<256x128xbf16, #tpu.memory_space<vmem>>, %arg13: memref<1x128xf32, #tpu.memory_space<vmem>>, %arg14: memref<16x64xbf16, #tpu.memory_space<vmem>>, %arg15: memref<1x64xf32, #tpu.memory_space<vmem>>, %arg16: memref<64x8xbf16, #tpu.memory_space<vmem>>, %arg17: memref<1x8xf32, #tpu.memory_space<vmem>>, %arg18: memref<128x1024xbf16, #tpu.memory_space<vmem>>, %arg19: memref<128x1024xbf16, #tpu.memory_space<vmem>>, %arg20: memref<1024x64xbf16, #tpu.memory_space<vmem>>, %arg21: memref<8x64xbf16, #tpu.memory_space<vmem>>, %arg22: memref<64x8xf32, #tpu.memory_space<vmem>>, %arg23: memref<8x64xf32, #tpu.memory_space<vmem>>, %arg24: memref<64x1024xbf16, #tpu.memory_space<vmem>>, %arg25: memref<1024x128xbf16, #tpu.memory_space<vmem>>, %arg26: memref<2000x128xf32, #tpu.memory_space<vmem>>) attributes {dimension_semantics = [#tpu.dimension_semantics<arbitrary>], iteration_bounds = array<i64: 80>, scalar_prefetch = 0 : i64, scratch_operands = 0 : i64, tpu.core_type = #tpu.core_type<tc>, window_params = [{transform_indices = @transform_0, window_bounds = array<i64: 2000, 128>}, {transform_indices = @transform_1, window_bounds = array<i64: 2000, 128>}, {transform_indices = @transform_2, window_bounds = array<i64: 2000, 16>}, {pipeline_mode = #tpu.pipeline_mode<synchronous>, transform_indices = @transform_3, window_bounds = array<i64: 128, 768>}, {pipeline_mode = #tpu.pipeline_mode<synchronous>, transform_indices = @transform_4, window_bounds = array<i64: 128, 768>}, {pipeline_mode = #tpu.pipeline_mode<synchronous>, transform_indices = @transform_5, window_bounds = array<i64: 16, 768>}, {pipeline_mode = #tpu.pipeline_mode<synchronous>, transform_indices = @transform_6, window_bounds = array<i64: 1, 768>}, {pipeline_mode = #tpu.pipeline_mode<synchronous>, transform_indices = @transform_7, window_bounds = array<i64: 256, 128>}, {pipeline_mode = #tpu.pipeline_mode<synchronous>, transform_indices = @transform_8, window_bounds = array<i64: 1, 128>}, {pipeline_mode = #tpu.pipeline_mode<synchronous>, transform_indices = @transform_9, window_bounds = array<i64: 256, 128>}, {pipeline_mode = #tpu.pipeline_mode<synchronous>, transform_indices = @transform_10, window_bounds = array<i64: 1, 128>}, {pipeline_mode = #tpu.pipeline_mode<synchronous>, transform_indices = @transform_11, window_bounds = array<i64: 256, 128>}, {pipeline_mode = #tpu.pipeline_mode<synchronous>, transform_indices = @transform_12, window_bounds = array<i64: 1, 128>}, {pipeline_mode = #tpu.pipeline_mode<synchronous>, transform_indices = @transform_13, window_bounds = array<i64: 16, 64>}, {pipeline_mode = #tpu.pipeline_mode<synchronous>, transform_indices = @transform_14, window_bounds = array<i64: 1, 64>}, {pipeline_mode = #tpu.pipeline_mode<synchronous>, transform_indices = @transform_15, window_bounds = array<i64: 64, 8>}, {pipeline_mode = #tpu.pipeline_mode<synchronous>, transform_indices = @transform_16, window_bounds = array<i64: 1, 8>}, {pipeline_mode = #tpu.pipeline_mode<synchronous>, transform_indices = @transform_17, window_bounds = array<i64: 128, 1024>}, {pipeline_mode = #tpu.pipeline_mode<synchronous>, transform_indices = @transform_18, window_bounds = array<i64: 128, 1024>}, {pipeline_mode = #tpu.pipeline_mode<synchronous>, transform_indices = @transform_19, window_bounds = array<i64: 1024, 64>}, {pipeline_mode = #tpu.pipeline_mode<synchronous>, transform_indices = @transform_20, window_bounds = array<i64: 8, 64>}, {pipeline_mode = #tpu.pipeline_mode<synchronous>, transform_indices = @transform_21, window_bounds = array<i64: 64, 8>}, {pipeline_mode = #tpu.pipeline_mode<synchronous>, transform_indices = @transform_22, window_bounds = array<i64: 8, 64>}, {pipeline_mode = #tpu.pipeline_mode<synchronous>, transform_indices = @transform_23, window_bounds = array<i64: 64, 1024>}, {pipeline_mode = #tpu.pipeline_mode<synchronous>, transform_indices = @transform_24, window_bounds = array<i64: 1024, 128>}, {transform_indices = @transform_25, window_bounds = array<i64: 2000, 128>}]} {
    %get3A = arith.constant 0 : index
    %get3A_0 = arith.constant 0 : index
    %get3A_1 = vector.load %arg3[%get3A, %get3A_0] : memref<2000x16xf32, #tpu.memory_space<vmem>>, vector<2000x16xf32>
    %convert_element_type3A = arith.truncf %get3A_1 : vector<2000x16xf32> to vector<2000x16xbf16>
    %get3A_2 = arith.constant 0 : index
    %get3A_3 = arith.constant 0 : index
    %get3A_4 = vector.load %arg1[%get3A_2, %get3A_3] : memref<2000x128xf32, #tpu.memory_space<vmem>>, vector<2000x128xf32>
    %convert_element_type3A_5 = arith.truncf %get3A_4 : vector<2000x128xf32> to vector<2000x128xbf16>
    %get3A_6 = arith.constant 0 : index
    %get3A_7 = arith.constant 0 : index
    %get3A_8 = vector.load %arg4[%get3A_6, %get3A_7] : memref<128x768xbf16, #tpu.memory_space<vmem>>, vector<128x768xbf16>
    %dot_general3A = arith.constant dense<0.000000e+00> : vector<2000x768xf32>
    %dot_general3A_9 = tpu.matmul %convert_element_type3A_5, %get3A_8, %dot_general3A {dimension_numbers = #tpu.dot_dimension_numbers<[1], [0], [0], [1], [0, 0, 1, 1], [], []>, transpose_lhs_hint = false} : vector<2000x128xbf16>, vector<128x768xbf16>, vector<2000x768xf32> -> vector<2000x768xf32>
    %get3A_10 = arith.constant 0 : index
    %get3A_11 = arith.constant 0 : index
    %get3A_12 = vector.load %arg2[%get3A_10, %get3A_11] : memref<2000x128xf32, #tpu.memory_space<vmem>>, vector<2000x128xf32>
    %convert_element_type3A_13 = arith.truncf %get3A_12 : vector<2000x128xf32> to vector<2000x128xbf16>
    %get3A_14 = arith.constant 0 : index
    %get3A_15 = arith.constant 0 : index
    %get3A_16 = vector.load %arg5[%get3A_14, %get3A_15] : memref<128x768xbf16, #tpu.memory_space<vmem>>, vector<128x768xbf16>
    %dot_general3A_17 = arith.constant dense<0.000000e+00> : vector<2000x768xf32>
    %dot_general3A_18 = tpu.matmul %convert_element_type3A_13, %get3A_16, %dot_general3A_17 {dimension_numbers = #tpu.dot_dimension_numbers<[1], [0], [0], [1], [0, 0, 1, 1], [], []>, transpose_lhs_hint = false} : vector<2000x128xbf16>, vector<128x768xbf16>, vector<2000x768xf32> -> vector<2000x768xf32>
    %add3A = arith.addf %dot_general3A_9, %dot_general3A_18 : vector<2000x768xf32>
    %get3A_19 = arith.constant 0 : index
    %get3A_20 = arith.constant 0 : index
    %get3A_21 = vector.load %arg6[%get3A_19, %get3A_20] : memref<16x768xbf16, #tpu.memory_space<vmem>>, vector<16x768xbf16>
    %dot_general3A_22 = arith.constant dense<0.000000e+00> : vector<2000x768xf32>
    %dot_general3A_23 = tpu.matmul %convert_element_type3A, %get3A_21, %dot_general3A_22 {dimension_numbers = #tpu.dot_dimension_numbers<[1], [0], [0], [1], [0, 0, 1, 1], [], []>, transpose_lhs_hint = false} : vector<2000x16xbf16>, vector<16x768xbf16>, vector<2000x768xf32> -> vector<2000x768xf32>
    %add3A_24 = arith.addf %add3A, %dot_general3A_23 : vector<2000x768xf32>
    %get3A_25 = arith.constant 0 : index
    %get3A_26 = arith.constant 0 : index
    %get3A_27 = vector.load %arg7[%get3A_25, %get3A_26] : memref<1x768xf32, #tpu.memory_space<vmem>>, vector<1x768xf32>
    %add3A_28 = vector.broadcast %get3A_27 : vector<1x768xf32> to vector<2000x768xf32>
    %add3A_29 = arith.addf %add3A_24, %add3A_28 : vector<2000x768xf32>
    %mul3A = arith.constant 0.0713548139 : f32
    %mul3A_30 = vector.broadcast %mul3A : f32 to vector<2000x768xf32>
    %mul3A_31 = arith.mulf %mul3A_30, %add3A_29 : vector<2000x768xf32>
    %mul3A_32 = arith.mulf %mul3A_31, %add3A_29 : vector<2000x768xf32>
    %add3A_33 = arith.constant 1.59576917 : f32
    %add3A_34 = vector.broadcast %add3A_33 : f32 to vector<2000x768xf32>
    %add3A_35 = arith.addf %add3A_34, %mul3A_32 : vector<2000x768xf32>
    %mul3A_36 = arith.mulf %add3A_29, %add3A_35 : vector<2000x768xf32>
    %neg3A = arith.constant 0.000000e+00 : f32
    %neg3A_37 = vector.broadcast %neg3A : f32 to vector<2000x768xf32>
    %neg3A_38 = arith.subf %neg3A_37, %mul3A_36 : vector<2000x768xf32>
    %exp3A = math.exp %neg3A_38 : vector<2000x768xf32>
    %add3A_39 = arith.constant 1.000000e+00 : f32
    %add3A_40 = vector.broadcast %add3A_39 : f32 to vector<2000x768xf32>
    %add3A_41 = arith.addf %add3A_40, %exp3A : vector<2000x768xf32>
    %div3A = arith.divf %add3A_29, %add3A_41 : vector<2000x768xf32>
    %convert_element_type3A_42 = arith.truncf %div3A : vector<2000x768xf32> to vector<2000x768xbf16>
    %slice3A = vector.extract_strided_slice %convert_element_type3A_42 {offsets = [0, 0], sizes = [2000, 256], strides = [1, 1]} : vector<2000x768xbf16> to vector<2000x256xbf16>
    %get3A_43 = arith.constant 0 : index
    %get3A_44 = arith.constant 0 : index
    %get3A_45 = vector.load %arg8[%get3A_43, %get3A_44] : memref<256x128xbf16, #tpu.memory_space<vmem>>, vector<256x128xbf16>
    %dot_general3A_46 = arith.constant dense<0.000000e+00> : vector<2000x128xf32>
    %dot_general3A_47 = tpu.matmul %slice3A, %get3A_45, %dot_general3A_46 {dimension_numbers = #tpu.dot_dimension_numbers<[1], [0], [0], [1], [0, 0, 1, 1], [], []>, transpose_lhs_hint = false} : vector<2000x256xbf16>, vector<256x128xbf16>, vector<2000x128xf32> -> vector<2000x128xf32>
    %get3A_48 = arith.constant 0 : index
    %get3A_49 = arith.constant 0 : index
    %get3A_50 = vector.load %arg9[%get3A_48, %get3A_49] : memref<1x128xf32, #tpu.memory_space<vmem>>, vector<1x128xf32>
    %add3A_51 = vector.broadcast %get3A_50 : vector<1x128xf32> to vector<2000x128xf32>
    %add3A_52 = arith.addf %dot_general3A_47, %add3A_51 : vector<2000x128xf32>
    %slice3A_53 = vector.extract_strided_slice %convert_element_type3A_42 {offsets = [0, 256], sizes = [2000, 256], strides = [1, 1]} : vector<2000x768xbf16> to vector<2000x256xbf16>
    %get3A_54 = arith.constant 0 : index
    %get3A_55 = arith.constant 0 : index
    %get3A_56 = vector.load %arg10[%get3A_54, %get3A_55] : memref<256x128xbf16, #tpu.memory_space<vmem>>, vector<256x128xbf16>
    %dot_general3A_57 = arith.constant dense<0.000000e+00> : vector<2000x128xf32>
    %dot_general3A_58 = tpu.matmul %slice3A_53, %get3A_56, %dot_general3A_57 {dimension_numbers = #tpu.dot_dimension_numbers<[1], [0], [0], [1], [0, 0, 1, 1], [], []>, transpose_lhs_hint = false} : vector<2000x256xbf16>, vector<256x128xbf16>, vector<2000x128xf32> -> vector<2000x128xf32>
    %get3A_59 = arith.constant 0 : index
    %get3A_60 = arith.constant 0 : index
    %get3A_61 = vector.load %arg11[%get3A_59, %get3A_60] : memref<1x128xf32, #tpu.memory_space<vmem>>, vector<1x128xf32>
    %add3A_62 = vector.broadcast %get3A_61 : vector<1x128xf32> to vector<2000x128xf32>
    %add3A_63 = arith.addf %dot_general3A_58, %add3A_62 : vector<2000x128xf32>
    %slice3A_64 = vector.extract_strided_slice %convert_element_type3A_42 {offsets = [0, 512], sizes = [2000, 256], strides = [1, 1]} : vector<2000x768xbf16> to vector<2000x256xbf16>
    %get3A_65 = arith.constant 0 : index
    %get3A_66 = arith.constant 0 : index
    %get3A_67 = vector.load %arg12[%get3A_65, %get3A_66] : memref<256x128xbf16, #tpu.memory_space<vmem>>, vector<256x128xbf16>
    %dot_general3A_68 = arith.constant dense<0.000000e+00> : vector<2000x128xf32>
    %dot_general3A_69 = tpu.matmul %slice3A_64, %get3A_67, %dot_general3A_68 {dimension_numbers = #tpu.dot_dimension_numbers<[1], [0], [0], [1], [0, 0, 1, 1], [], []>, transpose_lhs_hint = false} : vector<2000x256xbf16>, vector<256x128xbf16>, vector<2000x128xf32> -> vector<2000x128xf32>
    %get3A_70 = arith.constant 0 : index
    %get3A_71 = arith.constant 0 : index
    %get3A_72 = vector.load %arg13[%get3A_70, %get3A_71] : memref<1x128xf32, #tpu.memory_space<vmem>>, vector<1x128xf32>
    %add3A_73 = vector.broadcast %get3A_72 : vector<1x128xf32> to vector<2000x128xf32>
    %add3A_74 = arith.addf %dot_general3A_69, %add3A_73 : vector<2000x128xf32>
    %get3A_75 = arith.constant 0 : index
    %get3A_76 = arith.constant 0 : index
    %get3A_77 = vector.load %arg14[%get3A_75, %get3A_76] : memref<16x64xbf16, #tpu.memory_space<vmem>>, vector<16x64xbf16>
    %dot_general3A_78 = arith.constant dense<0.000000e+00> : vector<2000x64xf32>
    %dot_general3A_79 = tpu.matmul %convert_element_type3A, %get3A_77, %dot_general3A_78 {dimension_numbers = #tpu.dot_dimension_numbers<[1], [0], [0], [1], [0, 0, 1, 1], [], []>, transpose_lhs_hint = false} : vector<2000x16xbf16>, vector<16x64xbf16>, vector<2000x64xf32> -> vector<2000x64xf32>
    %get3A_80 = arith.constant 0 : index
    %get3A_81 = arith.constant 0 : index
    %get3A_82 = vector.load %arg15[%get3A_80, %get3A_81] : memref<1x64xf32, #tpu.memory_space<vmem>>, vector<1x64xf32>
    %add3A_83 = vector.broadcast %get3A_82 : vector<1x64xf32> to vector<2000x64xf32>
    %add3A_84 = arith.addf %dot_general3A_79, %add3A_83 : vector<2000x64xf32>
    %max3A = arith.constant 0.000000e+00 : f32
    %max3A_85 = vector.broadcast %max3A : f32 to vector<2000x64xf32>
    %max3A_86 = arith.maximumf %add3A_84, %max3A_85 : vector<2000x64xf32>
    %convert_element_type3A_87 = arith.truncf %max3A_86 : vector<2000x64xf32> to vector<2000x64xbf16>
    %get3A_88 = arith.constant 0 : index
    %get3A_89 = arith.constant 0 : index
    %get3A_90 = vector.load %arg16[%get3A_88, %get3A_89] : memref<64x8xbf16, #tpu.memory_space<vmem>>, vector<64x8xbf16>
    %dot_general3A_91 = arith.constant dense<0.000000e+00> : vector<2000x8xf32>
    %dot_general3A_92 = tpu.matmul %convert_element_type3A_87, %get3A_90, %dot_general3A_91 {dimension_numbers = #tpu.dot_dimension_numbers<[1], [0], [0], [1], [0, 0, 1, 1], [], []>, transpose_lhs_hint = false} : vector<2000x64xbf16>, vector<64x8xbf16>, vector<2000x8xf32> -> vector<2000x8xf32>
    %get3A_93 = arith.constant 0 : index
    %get3A_94 = arith.constant 0 : index
    %get3A_95 = vector.load %arg17[%get3A_93, %get3A_94] : memref<1x8xf32, #tpu.memory_space<vmem>>, vector<1x8xf32>
    %add3A_96 = vector.broadcast %get3A_95 : vector<1x8xf32> to vector<2000x8xf32>
    %add3A_97 = arith.addf %dot_general3A_92, %add3A_96 : vector<2000x8xf32>
    %convert_element_type3A_98 = arith.truncf %add3A_52 : vector<2000x128xf32> to vector<2000x128xbf16>
    %get3A_99 = arith.constant 0 : index
    %get3A_100 = arith.constant 0 : index
    %get3A_101 = vector.load %arg18[%get3A_99, %get3A_100] : memref<128x1024xbf16, #tpu.memory_space<vmem>>, vector<128x1024xbf16>
    %dot_general3A_102 = arith.constant dense<0.000000e+00> : vector<2000x1024xf32>
    %dot_general3A_103 = tpu.matmul %convert_element_type3A_98, %get3A_101, %dot_general3A_102 {dimension_numbers = #tpu.dot_dimension_numbers<[1], [0], [0], [1], [0, 0, 1, 1], [], []>, transpose_lhs_hint = false} : vector<2000x128xbf16>, vector<128x1024xbf16>, vector<2000x1024xf32> -> vector<2000x1024xf32>
    %convert_element_type3A_104 = arith.truncf %add3A_63 : vector<2000x128xf32> to vector<2000x128xbf16>
    %get3A_105 = arith.constant 0 : index
    %get3A_106 = arith.constant 0 : index
    %get3A_107 = vector.load %arg19[%get3A_105, %get3A_106] : memref<128x1024xbf16, #tpu.memory_space<vmem>>, vector<128x1024xbf16>
    %dot_general3A_108 = arith.constant dense<0.000000e+00> : vector<2000x1024xf32>
    %dot_general3A_109 = tpu.matmul %convert_element_type3A_104, %get3A_107, %dot_general3A_108 {dimension_numbers = #tpu.dot_dimension_numbers<[1], [0], [0], [1], [0, 0, 1, 1], [], []>, transpose_lhs_hint = false} : vector<2000x128xbf16>, vector<128x1024xbf16>, vector<2000x1024xf32> -> vector<2000x1024xf32>
    %mul3A_110 = arith.mulf %dot_general3A_103, %dot_general3A_109 : vector<2000x1024xf32>
    %convert_element_type3A_111 = arith.truncf %mul3A_110 : vector<2000x1024xf32> to vector<2000x1024xbf16>
    %get3A_112 = arith.constant 0 : index
    %get3A_113 = arith.constant 0 : index
    %get3A_114 = vector.load %arg20[%get3A_112, %get3A_113] : memref<1024x64xbf16, #tpu.memory_space<vmem>>, vector<1024x64xbf16>
    %dot_general3A_115 = arith.constant dense<0.000000e+00> : vector<2000x64xf32>
    %dot_general3A_116 = tpu.matmul %convert_element_type3A_111, %get3A_114, %dot_general3A_115 {dimension_numbers = #tpu.dot_dimension_numbers<[1], [0], [0], [1], [0, 0, 1, 1], [], []>, transpose_lhs_hint = false} : vector<2000x1024xbf16>, vector<1024x64xbf16>, vector<2000x64xf32> -> vector<2000x64xf32>
    %convert_element_type3A_117 = arith.truncf %add3A_97 : vector<2000x8xf32> to vector<2000x8xbf16>
    %get3A_118 = arith.constant 0 : index
    %get3A_119 = arith.constant 0 : index
    %get3A_120 = vector.load %arg21[%get3A_118, %get3A_119] : memref<8x64xbf16, #tpu.memory_space<vmem>>, vector<8x64xbf16>
    %dot_general3A_121 = arith.constant dense<0.000000e+00> : vector<2000x64xf32>
    %dot_general3A_122 = tpu.matmul %convert_element_type3A_117, %get3A_120, %dot_general3A_121 {dimension_numbers = #tpu.dot_dimension_numbers<[1], [0], [0], [1], [0, 0, 1, 1], [], []>, transpose_lhs_hint = false} : vector<2000x8xbf16>, vector<8x64xbf16>, vector<2000x64xf32> -> vector<2000x64xf32>
    %mul3A_123 = arith.constant 2.500000e-01 : f32
    %mul3A_124 = vector.broadcast %mul3A_123 : f32 to vector<2000x64xf32>
    %mul3A_125 = arith.mulf %dot_general3A_116, %mul3A_124 : vector<2000x64xf32>
    %add3A_126 = arith.addf %mul3A_125, %dot_general3A_122 : vector<2000x64xf32>
    %min3A = arith.constant 6.000000e+01 : f32
    %min3A_127 = vector.broadcast %min3A : f32 to vector<2000x64xf32>
    %min3A_128 = arith.minimumf %add3A_126, %min3A_127 : vector<2000x64xf32>
    %exp3A_129 = math.exp %min3A_128 : vector<2000x64xf32>
    %get3A_130 = arith.constant 0 : index
    %get3A_131 = arith.constant 0 : index
    %get3A_132 = vector.load %arg22[%get3A_130, %get3A_131] : memref<64x8xf32, #tpu.memory_space<vmem>>, vector<64x8xf32>
    %dot_general3A_133 = arith.constant dense<0.000000e+00> : vector<2000x8xf32>
    %dot_general3A_134 = tpu.matmul %exp3A_129, %get3A_132, %dot_general3A_133 {dimension_numbers = #tpu.dot_dimension_numbers<[1], [0], [0], [1], [0, 0, 1, 1], [], []>, transpose_lhs_hint = false} : vector<2000x64xf32>, vector<64x8xf32>, vector<2000x8xf32> -> vector<2000x8xf32>
    %div3A_135 = arith.constant 1.000000e+00 : f32
    %div3A_136 = vector.broadcast %div3A_135 : f32 to vector<2000x8xf32>
    %div3A_137 = arith.divf %div3A_136, %dot_general3A_134 : vector<2000x8xf32>
    %get3A_138 = arith.constant 0 : index
    %get3A_139 = arith.constant 0 : index
    %get3A_140 = vector.load %arg23[%get3A_138, %get3A_139] : memref<8x64xf32, #tpu.memory_space<vmem>>, vector<8x64xf32>
    %dot_general3A_141 = arith.constant dense<0.000000e+00> : vector<2000x64xf32>
    %dot_general3A_142 = tpu.matmul %div3A_137, %get3A_140, %dot_general3A_141 {dimension_numbers = #tpu.dot_dimension_numbers<[1], [0], [0], [1], [0, 0, 1, 1], [], []>, transpose_lhs_hint = false} : vector<2000x8xf32>, vector<8x64xf32>, vector<2000x64xf32> -> vector<2000x64xf32>
    %mul3A_143 = arith.mulf %exp3A_129, %dot_general3A_142 : vector<2000x64xf32>
    %convert_element_type3A_144 = arith.truncf %mul3A_143 : vector<2000x64xf32> to vector<2000x64xbf16>
    %get3A_145 = arith.constant 0 : index
    %get3A_146 = arith.constant 0 : index
    %get3A_147 = vector.load %arg24[%get3A_145, %get3A_146] : memref<64x1024xbf16, #tpu.memory_space<vmem>>, vector<64x1024xbf16>
    %dot_general3A_148 = arith.constant dense<0.000000e+00> : vector<2000x1024xf32>
    %dot_general3A_149 = tpu.matmul %convert_element_type3A_144, %get3A_147, %dot_general3A_148 {dimension_numbers = #tpu.dot_dimension_numbers<[1], [0], [0], [1], [0, 0, 1, 1], [], []>, transpose_lhs_hint = false} : vector<2000x64xbf16>, vector<64x1024xbf16>, vector<2000x1024xf32> -> vector<2000x1024xf32>
    %convert_element_type3A_150 = arith.truncf %add3A_74 : vector<2000x128xf32> to vector<2000x128xbf16>
    %get3A_151 = arith.constant 0 : index
    %get3A_152 = arith.constant 0 : index
    %get3A_153 = vector.load %arg19[%get3A_151, %get3A_152] : memref<128x1024xbf16, #tpu.memory_space<vmem>>, vector<128x1024xbf16>
    %dot_general3A_154 = arith.constant dense<0.000000e+00> : vector<2000x1024xf32>
    %dot_general3A_155 = tpu.matmul %convert_element_type3A_150, %get3A_153, %dot_general3A_154 {dimension_numbers = #tpu.dot_dimension_numbers<[1], [0], [0], [1], [0, 0, 1, 1], [], []>, transpose_lhs_hint = false} : vector<2000x128xbf16>, vector<128x1024xbf16>, vector<2000x1024xf32> -> vector<2000x1024xf32>
    %mul3A_156 = arith.mulf %dot_general3A_149, %dot_general3A_155 : vector<2000x1024xf32>
    %convert_element_type3A_157 = arith.truncf %mul3A_156 : vector<2000x1024xf32> to vector<2000x1024xbf16>
    %get3A_158 = arith.constant 0 : index
    %get3A_159 = arith.constant 0 : index
    %get3A_160 = vector.load %arg25[%get3A_158, %get3A_159] : memref<1024x128xbf16, #tpu.memory_space<vmem>>, vector<1024x128xbf16>
    %dot_general3A_161 = arith.constant dense<0.000000e+00> : vector<2000x128xf32>
    %dot_general3A_162 = tpu.matmul %convert_element_type3A_157, %get3A_160, %dot_general3A_161 {dimension_numbers = #tpu.dot_dimension_numbers<[1], [0], [0], [1], [0, 0, 1, 1], [], []>, transpose_lhs_hint = false} : vector<2000x1024xbf16>, vector<1024x128xbf16>, vector<2000x128xf32> -> vector<2000x128xf32>
    %swap3A = arith.constant 0 : index
    %swap3A_163 = arith.constant 0 : index
    %swap3A_164 = vector.load %arg26[%swap3A, %swap3A_163] : memref<2000x128xf32, #tpu.memory_space<vmem>>, vector<2000x128xf32>
    tpu.vector_store %arg26[%swap3A, %swap3A_163], %dot_general3A_162 {strides = array<i32>} : memref<2000x128xf32, #tpu.memory_space<vmem>>, vector<2000x128xf32>,
    return
  }
  func.func @transform_0(%arg0: i32) -> (i32, i32) {
    %c0_i32 = arith.constant 0 : i32
    %c0_i32_0 = arith.constant 0 : i32
    return %arg0, %c0_i32 : i32, i32
  }
  func.func @transform_1(%arg0: i32) -> (i32, i32) {
    %c0_i32 = arith.constant 0 : i32
    %c0_i32_0 = arith.constant 0 : i32
    return %arg0, %c0_i32 : i32, i32
  }
  func.func @transform_2(%arg0: i32) -> (i32, i32) {
    %c0_i32 = arith.constant 0 : i32
    %c0_i32_0 = arith.constant 0 : i32
    return %arg0, %c0_i32 : i32, i32
  }
  func.func @transform_3(%arg0: i32) -> (i32, i32) {
    %c0_i32 = arith.constant 0 : i32
    %c0_i32_0 = arith.constant 0 : i32
    %c0_i32_1 = arith.constant 0 : i32
    return %c0_i32, %c0_i32_0 : i32, i32
  }
  func.func @transform_4(%arg0: i32) -> (i32, i32) {
    %c0_i32 = arith.constant 0 : i32
    %c0_i32_0 = arith.constant 0 : i32
    %c0_i32_1 = arith.constant 0 : i32
    return %c0_i32, %c0_i32_0 : i32, i32
  }
  func.func @transform_5(%arg0: i32) -> (i32, i32) {
    %c0_i32 = arith.constant 0 : i32
    %c0_i32_0 = arith.constant 0 : i32
    %c0_i32_1 = arith.constant 0 : i32
    return %c0_i32, %c0_i32_0 : i32, i32
  }
  func.func @transform_6(%arg0: i32) -> (i32, i32) {
    %c0_i32 = arith.constant 0 : i32
    %c0_i32_0 = arith.constant 0 : i32
    %c0_i32_1 = arith.constant 0 : i32
    return %c0_i32, %c0_i32_0 : i32, i32
  }
  func.func @transform_7(%arg0: i32) -> (i32, i32) {
    %c0_i32 = arith.constant 0 : i32
    %c0_i32_0 = arith.constant 0 : i32
    %c0_i32_1 = arith.constant 0 : i32
    return %c0_i32, %c0_i32_0 : i32, i32
  }
  func.func @transform_8(%arg0: i32) -> (i32, i32) {
    %c0_i32 = arith.constant 0 : i32
    %c0_i32_0 = arith.constant 0 : i32
    %c0_i32_1 = arith.constant 0 : i32
    return %c0_i32, %c0_i32_0 : i32, i32
  }
  func.func @transform_9(%arg0: i32) -> (i32, i32) {
    %c0_i32 = arith.constant 0 : i32
    %c0_i32_0 = arith.constant 0 : i32
    %c0_i32_1 = arith.constant 0 : i32
    return %c0_i32, %c0_i32_0 : i32, i32
  }
  func.func @transform_10(%arg0: i32) -> (i32, i32) {
    %c0_i32 = arith.constant 0 : i32
    %c0_i32_0 = arith.constant 0 : i32
    %c0_i32_1 = arith.constant 0 : i32
    return %c0_i32, %c0_i32_0 : i32, i32
  }
  func.func @transform_11(%arg0: i32) -> (i32, i32) {
    %c0_i32 = arith.constant 0 : i32
    %c0_i32_0 = arith.constant 0 : i32
    %c0_i32_1 = arith.constant 0 : i32
    return %c0_i32, %c0_i32_0 : i32, i32
  }
  func.func @transform_12(%arg0: i32) -> (i32, i32) {
    %c0_i32 = arith.constant 0 : i32
    %c0_i32_0 = arith.constant 0 : i32
    %c0_i32_1 = arith.constant 0 : i32
    return %c0_i32, %c0_i32_0 : i32, i32
  }
  func.func @transform_13(%arg0: i32) -> (i32, i32) {
    %c0_i32 = arith.constant 0 : i32
    %c0_i32_0 = arith.constant 0 : i32
    %c0_i32_1 = arith.constant 0 : i32
    return %c0_i32, %c0_i32_0 : i32, i32
  }
  func.func @transform_14(%arg0: i32) -> (i32, i32) {
    %c0_i32 = arith.constant 0 : i32
    %c0_i32_0 = arith.constant 0 : i32
    %c0_i32_1 = arith.constant 0 : i32
    return %c0_i32, %c0_i32_0 : i32, i32
  }
  func.func @transform_15(%arg0: i32) -> (i32, i32) {
    %c0_i32 = arith.constant 0 : i32
    %c0_i32_0 = arith.constant 0 : i32
    %c0_i32_1 = arith.constant 0 : i32
    return %c0_i32, %c0_i32_0 : i32, i32
  }
  func.func @transform_16(%arg0: i32) -> (i32, i32) {
    %c0_i32 = arith.constant 0 : i32
    %c0_i32_0 = arith.constant 0 : i32
    %c0_i32_1 = arith.constant 0 : i32
    return %c0_i32, %c0_i32_0 : i32, i32
  }
  func.func @transform_17(%arg0: i32) -> (i32, i32) {
    %c0_i32 = arith.constant 0 : i32
    %c0_i32_0 = arith.constant 0 : i32
    %c0_i32_1 = arith.constant 0 : i32
    return %c0_i32, %c0_i32_0 : i32, i32
  }
  func.func @transform_18(%arg0: i32) -> (i32, i32) {
    %c0_i32 = arith.constant 0 : i32
    %c0_i32_0 = arith.constant 0 : i32
    %c0_i32_1 = arith.constant 0 : i32
    return %c0_i32, %c0_i32_0 : i32, i32
  }
  func.func @transform_19(%arg0: i32) -> (i32, i32) {
    %c0_i32 = arith.constant 0 : i32
    %c0_i32_0 = arith.constant 0 : i32
    %c0_i32_1 = arith.constant 0 : i32
    return %c0_i32, %c0_i32_0 : i32, i32
  }
  func.func @transform_20(%arg0: i32) -> (i32, i32) {
    %c0_i32 = arith.constant 0 : i32
    %c0_i32_0 = arith.constant 0 : i32
    %c0_i32_1 = arith.constant 0 : i32
    return %c0_i32, %c0_i32_0 : i32, i32
  }
  func.func @transform_21(%arg0: i32) -> (i32, i32) {
    %c0_i32 = arith.constant 0 : i32
    %c0_i32_0 = arith.constant 0 : i32
    %c0_i32_1 = arith.constant 0 : i32
    return %c0_i32, %c0_i32_0 : i32, i32
  }
  func.func @transform_22(%arg0: i32) -> (i32, i32) {
    %c0_i32 = arith.constant 0 : i32
    %c0_i32_0 = arith.constant 0 : i32
    %c0_i32_1 = arith.constant 0 : i32
    return %c0_i32, %c0_i32_0 : i32, i32
  }
  func.func @transform_23(%arg0: i32) -> (i32, i32) {
    %c0_i32 = arith.constant 0 : i32
    %c0_i32_0 = arith.constant 0 : i32
    %c0_i32_1 = arith.constant 0 : i32
    return %c0_i32, %c0_i32_0 : i32, i32
  }
  func.func @transform_24(%arg0: i32) -> (i32, i32) {
    %c0_i32 = arith.constant 0 : i32
    %c0_i32_0 = arith.constant 0 : i32
    %c0_i32_1 = arith.constant 0 : i32
    return %c0_i32, %c0_i32_0 : i32, i32
  }
  func.func @transform_25(%arg0: i32) -> (i32, i32) {
    %c0_i32 = arith.constant 0 : i32
    %c0_i32_0 = arith.constant 0 : i32
    return %arg0, %c0_i32 : i32, i32
  }
}

module attributes {stable_mosaic.version = 14 : i64} {
  func.func @_final_body(%arg0: i32, %arg1: memref<1000x128xf32, #tpu.memory_space<vmem>>, %arg2: memref<1x1000x128xf32, #tpu.memory_space<vmem>>, %arg3: memref<1x1000x128xf32, #tpu.memory_space<vmem>>, %arg4: memref<128x128xf32, #tpu.memory_space<vmem>>, %arg5: memref<128x128xf32, #tpu.memory_space<vmem>>, %arg6: memref<1x128xf32, #tpu.memory_space<vmem>>, %arg7: memref<1x128xf32, #tpu.memory_space<vmem>>, %arg8: memref<1x128xf32, #tpu.memory_space<vmem>>, %arg9: memref<128x256xf32, #tpu.memory_space<vmem>>, %arg10: memref<1x256xf32, #tpu.memory_space<vmem>>, %arg11: memref<256x128xf32, #tpu.memory_space<vmem>>, %arg12: memref<1x128xf32, #tpu.memory_space<vmem>>, %arg13: memref<1000x128xf32, #tpu.memory_space<vmem>>) attributes {dimension_semantics = [#tpu.dimension_semantics<arbitrary>], iteration_bounds = array<i64: 10>, scalar_prefetch = 0 : i64, scratch_operands = 0 : i64, tpu.core_type = #tpu.core_type<tc>, window_params = [{transform_indices = @transform_0, window_bounds = array<i64: 1000, 128>}, {transform_indices = @transform_1, window_bounds = array<i64: 1, 1000, 128>}, {transform_indices = @transform_2, window_bounds = array<i64: 1, 1000, 128>}, {pipeline_mode = #tpu.pipeline_mode<synchronous>, transform_indices = @transform_3, window_bounds = array<i64: 128, 128>}, {pipeline_mode = #tpu.pipeline_mode<synchronous>, transform_indices = @transform_4, window_bounds = array<i64: 128, 128>}, {pipeline_mode = #tpu.pipeline_mode<synchronous>, transform_indices = @transform_5, window_bounds = array<i64: 1, 128>}, {pipeline_mode = #tpu.pipeline_mode<synchronous>, transform_indices = @transform_6, window_bounds = array<i64: 1, 128>}, {pipeline_mode = #tpu.pipeline_mode<synchronous>, transform_indices = @transform_7, window_bounds = array<i64: 1, 128>}, {pipeline_mode = #tpu.pipeline_mode<synchronous>, transform_indices = @transform_8, window_bounds = array<i64: 128, 256>}, {pipeline_mode = #tpu.pipeline_mode<synchronous>, transform_indices = @transform_9, window_bounds = array<i64: 1, 256>}, {pipeline_mode = #tpu.pipeline_mode<synchronous>, transform_indices = @transform_10, window_bounds = array<i64: 256, 128>}, {pipeline_mode = #tpu.pipeline_mode<synchronous>, transform_indices = @transform_11, window_bounds = array<i64: 1, 128>}, {transform_indices = @transform_12, window_bounds = array<i64: 1000, 128>}]} {
    %get3A = arith.constant 0 : index
    %get3A_0 = arith.constant 0 : index
    %get3A_1 = vector.load %arg1[%get3A, %get3A_0] : memref<1000x128xf32, #tpu.memory_space<vmem>>, vector<1000x128xf32>
    %get3A_2 = arith.constant 0 : index
    %get3A_3 = arith.constant 0 : index
    %get3A_4 = arith.constant 0 : index
    %get3A_5 = vector.load %arg2[%get3A_2, %get3A_3, %get3A_4] : memref<1x1000x128xf32, #tpu.memory_space<vmem>>, vector<1x1000x128xf32>
    %get3A_6 = vector.shape_cast %get3A_5 : vector<1x1000x128xf32> to vector<1000x128xf32>
    %get3A_7 = arith.constant 0 : index
    %get3A_8 = arith.constant 0 : index
    %get3A_9 = arith.constant 0 : index
    %get3A_10 = vector.load %arg3[%get3A_7, %get3A_8, %get3A_9] : memref<1x1000x128xf32, #tpu.memory_space<vmem>>, vector<1x1000x1xf32>
    %get3A_11 = vector.shape_cast %get3A_10 : vector<1x1000x1xf32> to vector<1000x1xf32>
    %max3A = arith.constant 1.000000e+00 : f32
    %max3A_12 = vector.broadcast %max3A : f32 to vector<1000x1xf32>
    %max3A_13 = arith.maximumf %get3A_11, %max3A_12 : vector<1000x1xf32>
    %div3A = vector.broadcast %max3A_13 : vector<1000x1xf32> to vector<1000x128xf32>
    %div3A_14 = arith.divf %get3A_6, %div3A : vector<1000x128xf32>
    %add3A = arith.addf %get3A_1, %div3A_14 : vector<1000x128xf32>
    %get3A_15 = arith.constant 0 : index
    %get3A_16 = arith.constant 0 : index
    %get3A_17 = vector.load %arg4[%get3A_15, %get3A_16] : memref<128x128xf32, #tpu.memory_space<vmem>>, vector<128x128xf32>
    %dot_general3A = arith.constant dense<0.000000e+00> : vector<1000x128xf32>
    %dot_general3A_18 = tpu.matmul %add3A, %get3A_17, %dot_general3A {dimension_numbers = #tpu.dot_dimension_numbers<[1], [0], [0], [1], [0, 0, 1, 1], [], []>, transpose_lhs_hint = false} : vector<1000x128xf32>, vector<128x128xf32>, vector<1000x128xf32> -> vector<1000x128xf32>
    %add3A_19 = arith.addf %add3A, %dot_general3A_18 : vector<1000x128xf32>
    %get3A_20 = arith.constant 0 : index
    %get3A_21 = arith.constant 0 : index
    %get3A_22 = vector.load %arg5[%get3A_20, %get3A_21] : memref<128x128xf32, #tpu.memory_space<vmem>>, vector<128x128xf32>
    %dot_general3A_23 = arith.constant dense<0.000000e+00> : vector<1000x128xf32>
    %dot_general3A_24 = tpu.matmul %get3A_1, %get3A_22, %dot_general3A_23 {dimension_numbers = #tpu.dot_dimension_numbers<[1], [0], [0], [1], [0, 0, 1, 1], [], []>, transpose_lhs_hint = false} : vector<1000x128xf32>, vector<128x128xf32>, vector<1000x128xf32> -> vector<1000x128xf32>
    %add3A_25 = arith.addf %add3A_19, %dot_general3A_24 : vector<1000x128xf32>
    %get3A_26 = arith.constant 0 : index
    %get3A_27 = arith.constant 0 : index
    %get3A_28 = vector.load %arg6[%get3A_26, %get3A_27] : memref<1x128xf32, #tpu.memory_space<vmem>>, vector<1x128xf32>
    %add3A_29 = vector.broadcast %get3A_28 : vector<1x128xf32> to vector<1000x128xf32>
    %add3A_30 = arith.addf %add3A_25, %add3A_29 : vector<1000x128xf32>
    %get3A_31 = arith.constant 0 : index
    %get3A_32 = arith.constant 0 : index
    %get3A_33 = vector.load %arg7[%get3A_31, %get3A_32] : memref<1x128xf32, #tpu.memory_space<vmem>>, vector<1x128xf32>
    %get3A_34 = arith.constant 0 : index
    %get3A_35 = arith.constant 0 : index
    %get3A_36 = vector.load %arg8[%get3A_34, %get3A_35] : memref<1x128xf32, #tpu.memory_space<vmem>>, vector<1x128xf32>
    %reduce_sum3A = arith.constant dense<0.000000e+00> : vector<1000xf32>
    %reduce_sum3A_37 = vector.multi_reduction <add>, %add3A_30, %reduce_sum3A [1] : vector<1000x128xf32> to vector<1000xf32>
    %broadcast_in_dim3A = vector.shape_cast %reduce_sum3A_37 : vector<1000xf32> to vector<1000x1xf32>
    %div3A_38 = arith.constant 1.280000e+02 : f32
    %div3A_39 = vector.broadcast %div3A_38 : f32 to vector<1000x1xf32>
    %div3A_40 = arith.divf %broadcast_in_dim3A, %div3A_39 : vector<1000x1xf32>
    %sub3A = vector.broadcast %div3A_40 : vector<1000x1xf32> to vector<1000x128xf32>
    %sub3A_41 = arith.subf %add3A_30, %sub3A : vector<1000x128xf32>
    %integer_pow3A = arith.mulf %sub3A_41, %sub3A_41 : vector<1000x128xf32>
    %reduce_sum3A_42 = arith.constant dense<0.000000e+00> : vector<1000xf32>
    %reduce_sum3A_43 = vector.multi_reduction <add>, %integer_pow3A, %reduce_sum3A_42 [1] : vector<1000x128xf32> to vector<1000xf32>
    %broadcast_in_dim3A_44 = vector.shape_cast %reduce_sum3A_43 : vector<1000xf32> to vector<1000x1xf32>
    %div3A_45 = arith.constant 1.280000e+02 : f32
    %div3A_46 = vector.broadcast %div3A_45 : f32 to vector<1000x1xf32>
    %div3A_47 = arith.divf %broadcast_in_dim3A_44, %div3A_46 : vector<1000x1xf32>
    %sub3A_48 = vector.broadcast %div3A_40 : vector<1000x1xf32> to vector<1000x128xf32>
    %sub3A_49 = arith.subf %add3A_30, %sub3A_48 : vector<1000x128xf32>
    %add3A_50 = arith.constant 9.99999974E-6 : f32
    %add3A_51 = vector.broadcast %add3A_50 : f32 to vector<1000x1xf32>
    %add3A_52 = arith.addf %div3A_47, %add3A_51 : vector<1000x1xf32>
    %rsqrt3A = math.rsqrt %add3A_52 : vector<1000x1xf32>
    %mul3A = vector.broadcast %rsqrt3A : vector<1000x1xf32> to vector<1000x128xf32>
    %mul3A_53 = arith.mulf %sub3A_49, %mul3A : vector<1000x128xf32>
    %mul3A_54 = vector.broadcast %get3A_33 : vector<1x128xf32> to vector<1000x128xf32>
    %mul3A_55 = arith.mulf %mul3A_53, %mul3A_54 : vector<1000x128xf32>
    %add3A_56 = vector.broadcast %get3A_36 : vector<1x128xf32> to vector<1000x128xf32>
    %add3A_57 = arith.addf %mul3A_55, %add3A_56 : vector<1000x128xf32>
    %get3A_58 = arith.constant 0 : index
    %get3A_59 = arith.constant 0 : index
    %get3A_60 = vector.load %arg9[%get3A_58, %get3A_59] : memref<128x256xf32, #tpu.memory_space<vmem>>, vector<128x256xf32>
    %dot_general3A_61 = arith.constant dense<0.000000e+00> : vector<1000x256xf32>
    %dot_general3A_62 = tpu.matmul %add3A_57, %get3A_60, %dot_general3A_61 {dimension_numbers = #tpu.dot_dimension_numbers<[1], [0], [0], [1], [0, 0, 1, 1], [], []>, transpose_lhs_hint = false} : vector<1000x128xf32>, vector<128x256xf32>, vector<1000x256xf32> -> vector<1000x256xf32>
    %get3A_63 = arith.constant 0 : index
    %get3A_64 = arith.constant 0 : index
    %get3A_65 = vector.load %arg10[%get3A_63, %get3A_64] : memref<1x256xf32, #tpu.memory_space<vmem>>, vector<1x256xf32>
    %add3A_66 = vector.broadcast %get3A_65 : vector<1x256xf32> to vector<1000x256xf32>
    %add3A_67 = arith.addf %dot_general3A_62, %add3A_66 : vector<1000x256xf32>
    %mul3A_68 = arith.constant 5.000000e-01 : f32
    %mul3A_69 = vector.broadcast %mul3A_68 : f32 to vector<1000x256xf32>
    %mul3A_70 = arith.mulf %mul3A_69, %add3A_67 : vector<1000x256xf32>
    %mul3A_71 = arith.constant 0.707106769 : f32
    %mul3A_72 = vector.broadcast %mul3A_71 : f32 to vector<1000x256xf32>
    %mul3A_73 = arith.mulf %add3A_67, %mul3A_72 : vector<1000x256xf32>
    %sign3A = tpu.bitcast %mul3A_73 : vector<1000x256xf32> -> vector<1000x256xi32>
    %sign3A_74 = arith.constant -2147483648 : i32
    %sign3A_75 = vector.broadcast %sign3A_74 : i32 to vector<1000x256xi32>
    %sign3A_76 = arith.andi %sign3A, %sign3A_75 : vector<1000x256xi32>
    %sign3A_77 = arith.constant 1065353216 : i32
    %sign3A_78 = vector.broadcast %sign3A_77 : i32 to vector<1000x256xi32>
    %sign3A_79 = arith.ori %sign3A_78, %sign3A_76 : vector<1000x256xi32>
    %sign3A_80 = tpu.bitcast %sign3A_79 : vector<1000x256xi32> -> vector<1000x256xf32>
    %sign3A_81 = math.absf %mul3A_73 : vector<1000x256xf32>
    %sign3A_82 = arith.constant 0.000000e+00 : f32
    %sign3A_83 = vector.broadcast %sign3A_82 : f32 to vector<1000x256xf32>
    %sign3A_84 = arith.cmpf ogt, %sign3A_81, %sign3A_83 : vector<1000x256xf32>
    %sign3A_85 = arith.select %sign3A_84, %sign3A_80, %mul3A_73 : vector<1000x256xi1>, vector<1000x256xf32>
    %abs3A = math.absf %mul3A_73 : vector<1000x256xf32>
    %mul3A_86 = arith.constant 0.327591091 : f32
    %mul3A_87 = vector.broadcast %mul3A_86 : f32 to vector<1000x256xf32>
    %mul3A_88 = arith.mulf %mul3A_87, %abs3A : vector<1000x256xf32>
    %add3A_89 = arith.constant 1.000000e+00 : f32
    %add3A_90 = vector.broadcast %add3A_89 : f32 to vector<1000x256xf32>
    %add3A_91 = arith.addf %add3A_90, %mul3A_88 : vector<1000x256xf32>
    %div3A_92 = arith.constant 1.000000e+00 : f32
    %div3A_93 = vector.broadcast %div3A_92 : f32 to vector<1000x256xf32>
    %div3A_94 = arith.divf %div3A_93, %add3A_91 : vector<1000x256xf32>
    %mul3A_95 = arith.constant 1.06140542 : f32
    %mul3A_96 = vector.broadcast %mul3A_95 : f32 to vector<1000x256xf32>
    %mul3A_97 = arith.mulf %div3A_94, %mul3A_96 : vector<1000x256xf32>
    %add3A_98 = arith.constant -1.45315206 : f32
    %add3A_99 = vector.broadcast %add3A_98 : f32 to vector<1000x256xf32>
    %add3A_100 = arith.addf %add3A_99, %mul3A_97 : vector<1000x256xf32>
    %mul3A_101 = arith.mulf %div3A_94, %add3A_100 : vector<1000x256xf32>
    %add3A_102 = arith.constant 1.42141378 : f32
    %add3A_103 = vector.broadcast %add3A_102 : f32 to vector<1000x256xf32>
    %add3A_104 = arith.addf %add3A_103, %mul3A_101 : vector<1000x256xf32>
    %mul3A_105 = arith.mulf %div3A_94, %add3A_104 : vector<1000x256xf32>
    %add3A_106 = arith.constant -0.284496725 : f32
    %add3A_107 = vector.broadcast %add3A_106 : f32 to vector<1000x256xf32>
    %add3A_108 = arith.addf %add3A_107, %mul3A_105 : vector<1000x256xf32>
    %mul3A_109 = arith.mulf %div3A_94, %add3A_108 : vector<1000x256xf32>
    %add3A_110 = arith.constant 0.254829586 : f32
    %add3A_111 = vector.broadcast %add3A_110 : f32 to vector<1000x256xf32>
    %add3A_112 = arith.addf %add3A_111, %mul3A_109 : vector<1000x256xf32>
    %mul3A_113 = arith.mulf %div3A_94, %add3A_112 : vector<1000x256xf32>
    %neg3A = arith.constant 0.000000e+00 : f32
    %neg3A_114 = vector.broadcast %neg3A : f32 to vector<1000x256xf32>
    %neg3A_115 = arith.subf %neg3A_114, %abs3A : vector<1000x256xf32>
    %mul3A_116 = arith.mulf %neg3A_115, %abs3A : vector<1000x256xf32>
    %exp3A = math.exp %mul3A_116 : vector<1000x256xf32>
    %mul3A_117 = arith.mulf %mul3A_113, %exp3A : vector<1000x256xf32>
    %sub3A_118 = arith.constant 1.000000e+00 : f32
    %sub3A_119 = vector.broadcast %sub3A_118 : f32 to vector<1000x256xf32>
    %sub3A_120 = arith.subf %sub3A_119, %mul3A_117 : vector<1000x256xf32>
    %mul3A_121 = arith.mulf %sign3A_85, %sub3A_120 : vector<1000x256xf32>
    %add3A_122 = arith.constant 1.000000e+00 : f32
    %add3A_123 = vector.broadcast %add3A_122 : f32 to vector<1000x256xf32>
    %add3A_124 = arith.addf %add3A_123, %mul3A_121 : vector<1000x256xf32>
    %mul3A_125 = arith.mulf %mul3A_70, %add3A_124 : vector<1000x256xf32>
    %get3A_126 = arith.constant 0 : index
    %get3A_127 = arith.constant 0 : index
    %get3A_128 = vector.load %arg11[%get3A_126, %get3A_127] : memref<256x128xf32, #tpu.memory_space<vmem>>, vector<256x128xf32>
    %dot_general3A_129 = arith.constant dense<0.000000e+00> : vector<1000x128xf32>
    %dot_general3A_130 = tpu.matmul %mul3A_125, %get3A_128, %dot_general3A_129 {dimension_numbers = #tpu.dot_dimension_numbers<[1], [0], [0], [1], [0, 0, 1, 1], [], []>, transpose_lhs_hint = false} : vector<1000x256xf32>, vector<256x128xf32>, vector<1000x128xf32> -> vector<1000x128xf32>
    %add3A_131 = arith.addf %add3A_30, %dot_general3A_130 : vector<1000x128xf32>
    %get3A_132 = arith.constant 0 : index
    %get3A_133 = arith.constant 0 : index
    %get3A_134 = vector.load %arg12[%get3A_132, %get3A_133] : memref<1x128xf32, #tpu.memory_space<vmem>>, vector<1x128xf32>
    %add3A_135 = vector.broadcast %get3A_134 : vector<1x128xf32> to vector<1000x128xf32>
    %add3A_136 = arith.addf %add3A_131, %add3A_135 : vector<1000x128xf32>
    %swap3A = arith.constant 0 : index
    %swap3A_137 = arith.constant 0 : index
    %swap3A_138 = vector.load %arg13[%swap3A, %swap3A_137] : memref<1000x128xf32, #tpu.memory_space<vmem>>, vector<1000x128xf32>
    tpu.vector_store %arg13[%swap3A, %swap3A_137], %add3A_136 {strides = array<i32>} : memref<1000x128xf32, #tpu.memory_space<vmem>>, vector<1000x128xf32>,
    return
  }
  func.func @transform_0(%arg0: i32) -> (i32, i32) {
    %c0_i32 = arith.constant 0 : i32
    %c0_i32_0 = arith.constant 0 : i32
    return %arg0, %c0_i32 : i32, i32
  }
  func.func @transform_1(%arg0: i32) -> (i32, i32, i32) {
    %jit3A = arith.constant 5 : i32
    %div3A = arith.divsi %arg0, %jit3A : i32
    %sign3A = arith.constant 0 : i32
    %sign3A_0 = arith.cmpi sgt, %arg0, %sign3A : i32
    %sign3A_1 = arith.extui %sign3A_0 : i1 to i32
    %sign3A_2 = arith.constant 0 : i32
    %sign3A_3 = arith.cmpi slt, %arg0, %sign3A_2 : i32
    %sign3A_4 = arith.extui %sign3A_3 : i1 to i32
    %sign3A_5 = arith.subi %sign3A_1, %sign3A_4 : i32
    %sign3A_6 = arith.constant 0 : i32
    %sign3A_7 = arith.cmpi sgt, %jit3A, %sign3A_6 : i32
    %sign3A_8 = arith.extui %sign3A_7 : i1 to i32
    %sign3A_9 = arith.constant 0 : i32
    %sign3A_10 = arith.cmpi slt, %jit3A, %sign3A_9 : i32
    %sign3A_11 = arith.extui %sign3A_10 : i1 to i32
    %sign3A_12 = arith.subi %sign3A_8, %sign3A_11 : i32
    %ne3A = arith.cmpi ne, %sign3A_5, %sign3A_12 : i32
    %rem3A = arith.remsi %arg0, %jit3A : i32
    %ne3A_13 = arith.constant 0 : i32
    %ne3A_14 = arith.cmpi ne, %rem3A, %ne3A_13 : i32
    %and3A = arith.andi %ne3A, %ne3A_14 : i1
    %sub3A = arith.constant 1 : i32
    %sub3A_15 = arith.subi %div3A, %sub3A : i32
    %select_n3A = arith.select %and3A, %sub3A_15, %div3A : i32
    %jit3A_16 = arith.constant 5 : i32
    %eq3A = arith.constant 0 : i32
    %eq3A_17 = arith.cmpi eq, %jit3A_16, %eq3A : i32
    %jit3A_18 = arith.constant 1 : i32
    %select_n3A_19 = arith.select %eq3A_17, %jit3A_18, %jit3A_16 : i32
    %rem3A_20 = arith.remsi %arg0, %select_n3A_19 : i32
    %ne3A_21 = arith.constant 0 : i32
    %ne3A_22 = arith.cmpi ne, %rem3A_20, %ne3A_21 : i32
    %lt3A = arith.constant 0 : i32
    %lt3A_23 = arith.cmpi slt, %rem3A_20, %lt3A : i32
    %lt3A_24 = arith.constant 0 : i32
    %lt3A_25 = arith.cmpi slt, %select_n3A_19, %lt3A_24 : i32
    %ne3A_26 = arith.xori %lt3A_23, %lt3A_25 : i1
    %and3A_27 = arith.andi %ne3A_26, %ne3A_22 : i1
    %add3A = arith.addi %rem3A_20, %select_n3A_19 : i32
    %select_n3A_28 = arith.select %and3A_27, %add3A, %rem3A_20 : i32
    %c0_i32 = arith.constant 0 : i32
    %c0_i32_29 = arith.constant 0 : i32
    return %select_n3A, %select_n3A_28, %c0_i32 : i32, i32, i32
  }
  func.func @transform_2(%arg0: i32) -> (i32, i32, i32) {
    %jit3A = arith.constant 5 : i32
    %div3A = arith.divsi %arg0, %jit3A : i32
    %sign3A = arith.constant 0 : i32
    %sign3A_0 = arith.cmpi sgt, %arg0, %sign3A : i32
    %sign3A_1 = arith.extui %sign3A_0 : i1 to i32
    %sign3A_2 = arith.constant 0 : i32
    %sign3A_3 = arith.cmpi slt, %arg0, %sign3A_2 : i32
    %sign3A_4 = arith.extui %sign3A_3 : i1 to i32
    %sign3A_5 = arith.subi %sign3A_1, %sign3A_4 : i32
    %sign3A_6 = arith.constant 0 : i32
    %sign3A_7 = arith.cmpi sgt, %jit3A, %sign3A_6 : i32
    %sign3A_8 = arith.extui %sign3A_7 : i1 to i32
    %sign3A_9 = arith.constant 0 : i32
    %sign3A_10 = arith.cmpi slt, %jit3A, %sign3A_9 : i32
    %sign3A_11 = arith.extui %sign3A_10 : i1 to i32
    %sign3A_12 = arith.subi %sign3A_8, %sign3A_11 : i32
    %ne3A = arith.cmpi ne, %sign3A_5, %sign3A_12 : i32
    %rem3A = arith.remsi %arg0, %jit3A : i32
    %ne3A_13 = arith.constant 0 : i32
    %ne3A_14 = arith.cmpi ne, %rem3A, %ne3A_13 : i32
    %and3A = arith.andi %ne3A, %ne3A_14 : i1
    %sub3A = arith.constant 1 : i32
    %sub3A_15 = arith.subi %div3A, %sub3A : i32
    %select_n3A = arith.select %and3A, %sub3A_15, %div3A : i32
    %jit3A_16 = arith.constant 5 : i32
    %eq3A = arith.constant 0 : i32
    %eq3A_17 = arith.cmpi eq, %jit3A_16, %eq3A : i32
    %jit3A_18 = arith.constant 1 : i32
    %select_n3A_19 = arith.select %eq3A_17, %jit3A_18, %jit3A_16 : i32
    %rem3A_20 = arith.remsi %arg0, %select_n3A_19 : i32
    %ne3A_21 = arith.constant 0 : i32
    %ne3A_22 = arith.cmpi ne, %rem3A_20, %ne3A_21 : i32
    %lt3A = arith.constant 0 : i32
    %lt3A_23 = arith.cmpi slt, %rem3A_20, %lt3A : i32
    %lt3A_24 = arith.constant 0 : i32
    %lt3A_25 = arith.cmpi slt, %select_n3A_19, %lt3A_24 : i32
    %ne3A_26 = arith.xori %lt3A_23, %lt3A_25 : i1
    %and3A_27 = arith.andi %ne3A_26, %ne3A_22 : i1
    %add3A = arith.addi %rem3A_20, %select_n3A_19 : i32
    %select_n3A_28 = arith.select %and3A_27, %add3A, %rem3A_20 : i32
    %c0_i32 = arith.constant 0 : i32
    %c0_i32_29 = arith.constant 0 : i32
    return %select_n3A, %select_n3A_28, %c0_i32 : i32, i32, i32
  }
  func.func @transform_3(%arg0: i32) -> (i32, i32) {
    %c0_i32 = arith.constant 0 : i32
    %c0_i32_0 = arith.constant 0 : i32
    %c0_i32_1 = arith.constant 0 : i32
    return %c0_i32, %c0_i32_0 : i32, i32
  }
  func.func @transform_4(%arg0: i32) -> (i32, i32) {
    %c0_i32 = arith.constant 0 : i32
    %c0_i32_0 = arith.constant 0 : i32
    %c0_i32_1 = arith.constant 0 : i32
    return %c0_i32, %c0_i32_0 : i32, i32
  }
  func.func @transform_5(%arg0: i32) -> (i32, i32) {
    %c0_i32 = arith.constant 0 : i32
    %c0_i32_0 = arith.constant 0 : i32
    %c0_i32_1 = arith.constant 0 : i32
    return %c0_i32, %c0_i32_0 : i32, i32
  }
  func.func @transform_6(%arg0: i32) -> (i32, i32) {
    %c0_i32 = arith.constant 0 : i32
    %c0_i32_0 = arith.constant 0 : i32
    %c0_i32_1 = arith.constant 0 : i32
    return %c0_i32, %c0_i32_0 : i32, i32
  }
  func.func @transform_7(%arg0: i32) -> (i32, i32) {
    %c0_i32 = arith.constant 0 : i32
    %c0_i32_0 = arith.constant 0 : i32
    %c0_i32_1 = arith.constant 0 : i32
    return %c0_i32, %c0_i32_0 : i32, i32
  }
  func.func @transform_8(%arg0: i32) -> (i32, i32) {
    %c0_i32 = arith.constant 0 : i32
    %c0_i32_0 = arith.constant 0 : i32
    %c0_i32_1 = arith.constant 0 : i32
    return %c0_i32, %c0_i32_0 : i32, i32
  }
  func.func @transform_9(%arg0: i32) -> (i32, i32) {
    %c0_i32 = arith.constant 0 : i32
    %c0_i32_0 = arith.constant 0 : i32
    %c0_i32_1 = arith.constant 0 : i32
    return %c0_i32, %c0_i32_0 : i32, i32
  }
  func.func @transform_10(%arg0: i32) -> (i32, i32) {
    %c0_i32 = arith.constant 0 : i32
    %c0_i32_0 = arith.constant 0 : i32
    %c0_i32_1 = arith.constant 0 : i32
    return %c0_i32, %c0_i32_0 : i32, i32
  }
  func.func @transform_11(%arg0: i32) -> (i32, i32) {
    %c0_i32 = arith.constant 0 : i32
    %c0_i32_0 = arith.constant 0 : i32
    %c0_i32_1 = arith.constant 0 : i32
    return %c0_i32, %c0_i32_0 : i32, i32
  }
  func.func @transform_12(%arg0: i32) -> (i32, i32) {
    %c0_i32 = arith.constant 0 : i32
    %c0_i32_0 = arith.constant 0 : i32
    return %arg0, %c0_i32 : i32, i32
  }
}

</mosaic_0001>

<sc_bundles>
// kernel: kernel.10.cloned.1.call-start
scs
__scs_entry_jumppad:
0x0: {  	(pc) =	sbr.rel $0x88, $3  }
0x1: {  	(tag) =	ssettag $0x0;
	lr =	simm.s32 $0x1  }
0x2: {  	[smem:$0x3F86] =	sst lr;
	_ =	strace $0xD0000000  }
0x3: {  	_ = 	snop  }
0x4: {  	_ = 	snop  }
0x5: {  	_ = 	snop  }
0x6: {  	_ = 	snop  }
0x7: {  	_ = 	snop  }
__scs_overlays_trampoline_lowered:
0x8: {  	[smem:$0x3F95] =	sst s0  }
0x9: {  	[smem:$0x3F96] =	sst s1  }
0xa: {  	[smem:$0x3F97] =	sst s2  }
0xb: {  	[smem:$0x3F98] =	sst s3  }
0xc: {  	[smem:$0x3F99] =	sst s4  }
0xd: {  	[smem:$0x3F9A] =	sst s5  }
0xe: {  	[smem:$0x3F9B] =	sst s6  }
0xf: {  	[smem:$0x3F9C] =	sst s7  }
0x10: {  	[smem:$0x3F9D] =	sst s8  }
0x11: {  	[smem:$0x3F9E] =	sst s9;
	s0 =	simm.s32 @!p0 $0x0  }
0x12: {  	s1 =	sld [smem:$0x3F84];
	s0 =	simm.s32 @p0 $0x1  }
0x13: {  	[smem:$0x3F9F] =	sst s0;
	s0 =	simm.s32 @!p1 $0x0  }
0x14: {  	s2 =	sld [smem:$0x3F83];
	s0 =	simm.s32 @p1 $0x1  }
0x15: {  	[smem:$0x3FA0] =	sst s0;
	s0 =	simm.s32 @!p2 $0x0  }
0x16: {  	s3 =	sld [smem:$0x3FDB];
	s0 =	simm.s32 @p2 $0x1  }
0x17: {  	s4 =	simm.s32 $0x1BF5;
	[smem:$0x3FA2] =	sst s0  }
0x18: {  	s0 =	sld [smem:$0x3F85];
	_ =	swait.ge [sflag:s4], $0x0  }
0x19: {  	s7 =	sld [smem:$0x3F86]  }
0x1a: {  	s8 =	sadd.s32 $0xFFFFE003, lr  }
0x1b: {  	s9 =	sadd.s32 $0xFFFFFEF7, lr;
	s5 =	simm.s32 $0xFFFFFFFF;
	p2 =	slt.u32 s8, $0xFFFFF086  }
0x1c: {  	p1 =	slt.u32 s9, $0xF7A;
	s5 =	simm.s32 @!p2 $0x0  }
0x1d: {  	s5 =	simm.s32 @p1 $0x1;
	p0 =	seq.s32 s7, s2  }
0x1e: {  	s7 =	smul.u32 @!p0 $0xF7A, s2;
	p2 =	seq.s32 @!p0 s5, $0x0  }
0x1f: {  	s9 =	smul.u32 $0xF7A, s1;
	s8 =	simm.s32 @!p0 $0x1BF5;
	p2 =	por !p2, p0  }
0x20: {  	[sflag:s8] =	ssyncset.s32 @!p0 $0xFFFFF086;
	s6 =	sadd.s32 @!p0 s3, s7;
	s7 =	simm.s32 @!p0 $0x108  }
0x21: {  	s3 =	sadd.s32 s3, s9;
	s6 =	sadd.s32 @!p0 $0x88, s6;
	s7 =	simm.s32 @p2 $0x1082  }
0x22: {  	[simem:s7], [sflag:s8] =	dma.local @!p0 [hbm:s6], $0xF7A  }
0x23: {  	s9 =	sor.u32 $0xD0000000, s2;
	s6 =	simm.s32 $0x108;
	_ =	swait.ge @!p0 [sflag:s8], $0x0  }
0x24: {  	s3 =	sadd.s32 $0x88, s3;
	s6 =	simm.s32 @!p1 $0x1082;
	[sflag:s4] =	ssyncset.s32 $0xFFFFF086  }
0x25: {  	[simem:s6], [sflag:s4] =	dma.local [hbm:s3], $0xF7A  }
0x26: {  	[smem:$0x3F86] =	sst s1;
	(tag) =	ssettag s2;
	_ =	strace s9  }
0x27: {  	s1 =	sld [smem:$0x3F96]  }
0x28: {  	s2 =	sld [smem:$0x3F97]  }
0x29: {  	s4 =	sld [smem:$0x3F99]  }
0x2a: {  	p0 =	seq.s32 s5, $0x0;
	s5 =	sld [smem:$0x3F9A]  }
0x2b: {  	s6 =	sld [smem:$0x3F9B]  }
0x2c: {  	s7 =	sld [smem:$0x3F9C]  }
0x2d: {  	s3 =	simm.s32 $0x108;
	s8 =	sld [smem:$0x3F9D]  }
0x2e: {  	s3 =	simm.s32 @!p0 $0x1082;
	s9 =	sld [smem:$0x3F9E]  }
0x2f: {  	lr =	sadd.s32 s0, s3;
	s0 =	sld [smem:$0x3F95]  }
0x30: {  	s3 =	sld [smem:$0x3F98]  }
0x31: {  	[smem:$0x3FA1] =	sst s10  }
0x32: {  	s10 =	sld [smem:$0x3F9F];
	_ =	sdelay $0x3  }
0x33: {  	p0 =	seq.s32 s10, $0x1;
	s10 =	sld [smem:$0x3FA1];
	_ =	sdelay $0x3  }
0x34: {  	[smem:$0x3FA1] =	sst s10  }
0x35: {  	s10 =	sld [smem:$0x3FA0];
	_ =	sdelay $0x3  }
0x36: {  	p1 =	seq.s32 s10, $0x1;
	s10 =	sld [smem:$0x3FA1];
	_ =	sdelay $0x3  }
0x37: {  	[smem:$0x3FA1] =	sst s10  }
0x38: {  	s10 =	sld [smem:$0x3FA2]  }
0x39: {  	_ = 	snop;
	(pc) =	sbr.ind lr, $3  }
0x3a: {  	_ = 	snop  }
0x3b: {  	_ = 	snop  }
0x3c: {  	p2 =	seq.s32 s10, $0x1;
	s10 =	sld [smem:$0x3FA1]  }
0x3d: {  	_ =	shalt  }
0x3e: {  	_ =	shalt  }
0x3f: {  	_ =	shalt  }
0x40: {  	_ =	shalt  }
0x41: {  	_ =	shalt  }
0x42: {  	_ =	shalt  }
0x43: {  	_ =	shalt  }
0x44: {  	_ =	shalt  }
0x45: {  	_ =	shalt  }
0x46: {  	_ =	shalt  }
0x47: {  	_ =	shalt  }
0x48: {  	_ =	shalt  }
0x49: {  	_ =	shalt  }
0x4a: {  	_ =	shalt  }
0x4b: {  	_ =	shalt  }
0x4c: {  	_ =	shalt  }
0x4d: {  	_ =	shalt  }
0x4e: {  	_ =	shalt  }
0x4f: {  	_ =	shalt  }
0x50: {  	_ =	shalt  }
0x51: {  	_ =	shalt  }
0x52: {  	_ =	shalt  }
0x53: {  	_ =	shalt  }
0x54: {  	_ =	shalt  }
0x55: {  	_ =	shalt  }
0x56: {  	_ =	shalt  }
0x57: {  	_ =	shalt  }
0x58: {  	_ =	shalt  }
0x59: {  	_ =	shalt  }
0x5a: {  	_ =	shalt  }
0x5b: {  	_ =	shalt  }
0x5c: {  	_ =	shalt  }
0x5d: {  	_ =	shalt  }
0x5e: {  	_ =	shalt  }
0x5f: {  	_ =	shalt  }
0x60: {  	_ =	shalt  }
0x61: {  	_ =	shalt  }
0x62: {  	_ =	shalt  }
0x63: {  	_ =	shalt  }
0x64: {  	_ =	shalt  }
0x65: {  	_ =	shalt  }
0x66: {  	_ =	shalt  }
0x67: {  	_ =	shalt  }
0x68: {  	_ =	shalt  }
0x69: {  	_ =	shalt  }
0x6a: {  	_ =	shalt  }
0x6b: {  	_ =	shalt  }
0x6c: {  	_ =	shalt  }
0x6d: {  	_ =	shalt  }
0x6e: {  	_ =	shalt  }
0x6f: {  	_ =	shalt  }
0x70: {  	_ =	shalt  }
0x71: {  	_ =	shalt  }
0x72: {  	_ =	shalt  }
0x73: {  	_ =	shalt  }
0x74: {  	_ =	shalt  }
0x75: {  	_ =	shalt  }
0x76: {  	_ =	shalt  }
0x77: {  	_ =	shalt  }
0x78: {  	_ =	shalt  }
0x79: {  	_ =	shalt  }
0x7a: {  	_ =	shalt  }
0x7b: {  	_ =	shalt  }
0x7c: {  	_ =	shalt  }
0x7d: {  	_ =	shalt  }
0x7e: {  	_ =	shalt  }
0x7f: {  	_ =	shalt  }
0x80: {  	_ =	shalt  }
0x81: {  	_ =	shalt  }
0x82: {  	_ =	shalt  }
0x83: {  	_ =	shalt  }
0x84: {  	_ =	shalt  }
0x85: {  	_ =	shalt  }
0x86: {  	_ =	shalt  }
0x87: {  	_ =	shalt  }
.Lfunc_end0:
.L_simem_size_0:
called_computation.1_lowered:
.L_overlay_start_0:
0x88: {  	s2 =	sld [smem:$0x3FD9]  }
0x89: {  	s3 =	sld [smem:$0x3FFE];
	_ =	sdelay $0x1  }
0x8a: {  	s1 =	srdreg.scid  }
0x8b: {  	s0 =	sand.u32 $0x1, s1  }
0x8c: {  	s17 =	sshll.u32 s0, $0xA;
	s2 =	sadd.s32 s3, s2  }
0x8d: {  	s2 =	sadd.s32 s2, s17  }
0x8e: {  	[smem:$0x3FAD] =	sst s2  }
0x8f: {  	_ = 	snop  }
0x90: {  	s2 =	sld [smem:$0x3FD0];
	(tm) =	ssettm $0x1  }
0x91: {  	s18 =	sld [smem:$0x3FFB];
	_ =	sdelay $0x3  }
0x92: {  	_ =	strace s18  }
0x93: {  	s3 =	sld [smem:$0x3FFC];
	_ =	sdelay $0x3  }
0x94: {  	_ =	strace s3  }
0x95: {  	s3 =	sld [smem:$0x3FFD];
	_ =	sdelay $0x3  }
0x96: {  	_ =	strace s3  }
0x97: {  	_ =	strace $0x8FFFFFFF  }
0x98: {  	s19 =	sld [smem:$0x3FDB];
	_ =	sdelay $0x1  }
0x99: {  	s4 =	simm.s32 $_scs_section_size  }
0x9a: {  	s5 =	simm.s32 $_size__tile_overlayer_lowered;
	s6 =	simm.s32 $_tile_overlayer_lowered  }
0x9b: {  	s22 =	simm.s32 $0x1BFF;
	s21 =	sshll.u32 s6, $0x1;
	s3 =	sadd.s32 s4, s19  }
0x9c: {  	s7 =	simm.s32 $0x0;
	s20 =	sshll.u32 s5, $0x1;
	s5 =	sadd.s32 s21, s3  }
0x9d: {  	[timem:s7], [sflag:s22] =	dma.local [hbm:s5], s20  }
0x9e: {  	_ =	swait.ge [sflag:s22], s20  }
0x9f: {  	s4 =	ssub.s32 $0x0, s20;
	[sflag:s22] =	ssyncset.done $0x0  }
0xa0: {  	[sflag:s22] =	ssyncadd.s32 s4;
	_ =	sdelay $0x1  }
0xa1: {  	s23 =	simm.s32 $0x1B8B  }
0xa2: {  	_ =	swait.ge [sflag:s23], $0x1  }
0xa3: {  	[sflag:s23] =	ssyncset.done $0x0  }
0xa4: {  	s25 =	simm.s32 $0x1B8E;
	s24 =	sld [smem:$0x3FFE];
	[sflag:s23] =	ssyncadd.s32 $0xFFFFFFFF  }
0xa5: {  	s26 =	simm.s32 $execute0_lowered;
	[smem:$0x3FD2] =	sst s25  }
0xa6: {  	s5 =	sshll.u32 s26, $0x1;
	_ =	strace $0x80000049;
	[dreg:$0x1] =	wrdreg $0xFFFFFFFF  }
0xa7: {  	s28 =	simm.s32 $_size_execute0_lowered;
	s3 =	sadd.s32 s3, s5;
	[dreg:$0x0] =	wrdreg $0x0  }
0xa8: {  	s5 =	sshll.u32 s28, $0x1;
	[dreg:$0x2] =	wrdreg s3  }
0xa9: {  	[dreg:$0x3] =	wrdreg s5  }
0xaa: {  	[dreg:$0x4] =	wrdreg $0xC0  }
0xab: {  	_ =	task [dreg:s7], $0x5FFFF  }
0xac: {  	[dreg:$0x1] =	wrdreg $0xFFFFFFFF  }
0xad: {  	[dreg:$0x0] =	wrdreg $0x60  }
0xae: {  	[dreg:$0x2] =	wrdreg s24  }
0xaf: {  	[dreg:$0x3] =	wrdreg s2  }
0xb0: {  	[dreg:$0x4] =	wrdreg $0x80800  }
0xb1: {  	[dreg:$0x5] =	wrdreg $0x120800  }
0xb2: {  	[dreg:$0x6] =	wrdreg $0x9  }
0xb3: {  	_ =	task.clear_ibuf [dreg:s7], $0x7FFFF;
	_ =	strace $0x90000049  }
0xb4: {  	s29 =	simm.s32 $0x9;
	_ =	strace $0x8000004B  }
0xb5: {  	_ =	swait.ge [sflag:s29], $0x1  }
0xb6: {  	[sflag:s29] =	ssyncadd.s32 $0xFFFFFFFF  }
0xb7: {  	_ =	strace $0x9000004B  }
0xb8: {  	_ =	sfence  }
0xb9: {  	s30 =	sld [smem:$0x0];
	_ =	sdelay $0x2  }
0xba: {  	s31 =	sshll.u32 s1, $0xD;
	s1 =	sshrl.u32 s1, $0x2  }
0xbb: {  	s3 =	sand.u32 $0x4000, s31;
	s1 =	sadd.s32 s1, s30  }
0xbc: {  	s0 =	sor.u32 s3, s0;
	s1 =	sshll.u32 s1, $0x11  }
0xbd: {  	s0 =	sor.u32 s1, s0  }
0xbe: {  	s0 =	sadd.s32 $0x8F2B, s0  }
0xbf: {  	[sflag:s0] =	ssyncadd.remote.s32 $0x1  }
0xc0: {  	_ =	sfence.sel $0xFFFF  }
0xc1: {  	[dreg:$0x0] =	wrdreg $0xFFFFFFFF;
	(pc) =	sbr.abs _section_cstart, $3  }
0xc2: {  	[dreg:$0x1] =	wrdreg $0xFFFFFFFF  }
0xc3: {  	_ =	task.clear_ibuf [dreg:s7], $0x2FFFF;
	_ =	strace $0x9FFFFFFF  }
0xc4: {  	(tm) =	ssettm $0x7FFFFFFF  }
0xc5: {  	_ =	shalt  }
tec
execute0_lowered:
.L_overlay_start_1:
0x0: {  	(tag) =	ssettag $0x1  }
0x1: {  	s7 =	rddreg [dreg:$0x0]  }
0x2: {  	s3 =	rddreg [dreg:$0x2];
	s1 =	srdreg.scid  }
0x3: {  	s4 =	rddreg [dreg:$0x3];
	s2 =	stileid.u32;
	s5 =	simm.s32 $0x0  }
0x4: {  	s25 =	simm.s32 $0x2;
	s26 =	simm.s32 $0x0;
	s8 =	sand.u32 $0x1, s1  }
0x5: {  	s9 =	sshll.u32 s2, $0x7;
	[smem:$0x7FF] =	sst s5;
	s10 =	sshll.u32 s2, $0xB  }
0x6: {  	s0 =	sadd.s32 $0x6C00, s7;
	s18 =	sadd.s32 $0x7400, s7;
	s19 =	sadd.s32 $0x2F400, s7  }
0x7: {  	s12 =	sshll.u32 s2, $0xE;
	s22 =	sor.u32 $0x20, s2;
	s6 =	smul.u32 $0x27100, s8  }
0x8: {  	_ =	strace $0x8000004A;
	s21 =	sadd.s32 s10, s7;
	[dreg:$0x5] =	wrdreg s0  }
0x9: {  	s29 =	ssub.s32 $0x2, s8;
	s15 =	smul.u32 $0xA0000, s8;
	s8 =	sadd.s32 s12, s3  }
0xa: {  	s16 =	sor.u32 $0x40000, s12;
	s17 =	sshll.u32 s22, $0xE;
	p0 =	sgt.u32 s22, $0x27  }
0xb: {  	s22 =	simm.s32 $0x80;
	s30 =	sshrl.u32 s29, $0x1;
	s10 =	sadd.s32 s16, s3  }
0xc: {  	s11 =	sadd.s32 s16, s4;
	s13 =	sadd.s32 s17, s4;
	s21 =	sadd.s32 $0x76DA00, s21  }
0xd: {  	s6 =	sadd.s32 s9, s6;
	s9 =	sadd.s32 s12, s4;
	s14 =	sadd.s32 s15, s12  }
0xe: {  	s12 =	sadd.s32 s17, s3;
	s16 =	sadd.s32 s15, s16;
	s17 =	sadd.s32 s15, s17  }
0xf: {  	s6 =	sshrl.u32 s6, $0x3;
	s23 =	sshrl.u32 s14, $0x3;
	s31 =	sshrl.u32 s16, $0x3  }
0x10: {  	s24 =	sshrl.u32 s17, $0x3;
	s20 =	sadd.s32 s6, s7;
	s7 =	ssub.s32 s29, s30  }
0x11: {  	s14 =	sadd.s32 s18, s23;
	s15 =	sadd.s32 s19, s23;
	s16 =	sadd.s32 s18, s31  }
0x12: {  	s17 =	sadd.s32 s19, s31;
	s18 =	sadd.s32 s18, s24;
	s19 =	sadd.s32 s19, s24  }
0x13: {  	s23 =	simm.s32 $0x1;
	s7 =	smax.u32 s7, $0x1;
	s20 =	sadd.s32 $0x763C00, s20  }
.LBB2_1:
0x14: {  	s0 =	rddreg [dreg:$0x1]  }
0x15: {  	[tilespmem:s22], [sflag:$0x1] =	stream.linear.gather [hbm4b:s0+s5], $0x4000, $0x38;
	[tilespmem:$0x1C080] =	vst v63  }
0x16: {  	_ =	swait.ge [sflag:s23], $0x4000  }
0x17: {  	[sflag:s23] =	ssyncset.done $0x0  }
0x18: {  	s1 =	simm.s32 $0x4080;
	s6 =	rddreg [dreg:$0x5];
	[sflag:s23] =	ssyncadd.s32 $0xFFFFC000  }
0x19: {  	[tilespmem:s1], [sflag:$0x1] =	stream.linear.gather [hbm4b:s6+s5], $0x4000, $0x38;
	[tilespmem:$0x1C080] =	vst v63  }
0x1a: {  	_ =	swait.ge [sflag:s23], $0x4000  }
0x1b: {  	[sflag:s23] =	ssyncset.done $0x0  }
0x1c: {  	[sflag:s23] =	ssyncadd.s32 $0xFFFFC000  }
0x1d: {  	[spmem:s8] =	stream.linear.scatter [tilespmem:s22], [sflag:$0x2], $0x4000, $0x38;
	[tilespmem:$0x1C080] =	vst v63  }
0x1e: {  	_ =	swait.ge [sflag:s25], $0x4000  }
0x1f: {  	[sflag:s25] =	ssyncset.done $0x0  }
0x20: {  	[sflag:s25] =	ssyncadd.s32 $0xFFFFC000  }
0x21: {  	[spmem:s9] =	stream.linear.scatter [tilespmem:s22], [sflag:$0x1], $0x4000, $0x38;
	[tilespmem:$0x1C080] =	vst v63  }
0x22: {  	_ =	swait.ge [sflag:s23], $0x4000  }
0x23: {  	[sflag:s23] =	ssyncset.done $0x0  }
0x24: {  	[sflag:s23] =	ssyncadd.s32 $0xFFFFC000  }
0x25: {  	[spmem:s10] =	stream.linear.scatter [tilespmem:s22], [sflag:$0x2], $0x4000, $0x38;
	[tilespmem:$0x1C080] =	vst v63  }
0x26: {  	_ =	swait.ge [sflag:s25], $0x4000  }
0x27: {  	[sflag:s25] =	ssyncset.done $0x0  }
0x28: {  	[sflag:s25] =	ssyncadd.s32 $0xFFFFC000  }
0x29: {  	[spmem:s11] =	stream.linear.scatter [tilespmem:s22], [sflag:$0x1], $0x4000, $0x38;
	[tilespmem:$0x1C080] =	vst v63  }
0x2a: {  	_ =	swait.ge [sflag:s23], $0x4000  }
0x2b: {  	[sflag:s23] =	ssyncset.done $0x0  }
0x2c: {  	s28 =	simm.s32 @!p0 $0x80;
	s29 =	simm.s32 @!p0 $0x2;
	[sflag:s23] =	ssyncadd.s32 $0xFFFFC000  }
0x2d: {  	[spmem:s12] =	stream.linear.scatter @!p0 [tilespmem:s28], [sflag:$0x2], $0x4000, $0x38;
	[tilespmem:$0x1C080] =	vst v63  }
0x2e: {  	_ =	swait.ge @!p0 [sflag:s29], $0x4000  }
0x2f: {  	[sflag:s29] =	ssyncset.done @!p0 $0x0  }
0x30: {  	[sflag:s29] =	ssyncadd.s32 @!p0 $0xFFFFC000  }
0x31: {  	[spmem:s13] =	stream.linear.scatter @!p0 [tilespmem:s28], [sflag:$0x1], $0x4000, $0x38;
	[tilespmem:$0x1C080] =	vst v63  }
0x32: {  	s28 =	simm.s32 @!p0 $0x1  }
0x33: {  	_ =	swait.ge @!p0 [sflag:s28], $0x4000  }
0x34: {  	s29 =	sadd.s32 $0x0, s2;
	[sflag:s28] =	ssyncset.done @!p0 $0x0  }
0x35: {  	p1 =	sgt.u32 s29, $0x4E1;
	[sflag:s28] =	ssyncadd.s32 @!p0 $0xFFFFC000  }
0x36: {  	s30 =	simm.s32 @!p1 $0x2;
	s28 =	simm.s32 @!p1 $0x0;
	[bflag:$0x0] =	sbarrier.arrive $0xFFFF  }
0x37: {  	[tilespmem:s28], [sflag:$0x2] =	stream.linear.gather @!p1 [hbm4b:s20+s28], $0x80, $0x38;
	[tilespmem:$0x1C080] =	vst v63  }
0x38: {  	_ =	swait.ge @!p1 [sflag:s30], $0x80  }
0x39: {  	[sflag:s30] =	ssyncset.done @!p1 $0x0;
	p1 =	por p1, p1  }
0x3a: {  	[sflag:s30] =	ssyncadd.s32 @!p1 $0xFFFFFF80;
	s1 =	simm.s32 @!p1 $0x80  }
0x3b: {  	[tilespmem:s1], [sflag:$0x2] =	stream.linear.gather @!p1 [hbm4b:s21+s28], $0x4000, $0x38;
	[tilespmem:$0x1C080] =	vst v63  }
0x3c: {  	_ =	swait.ge @!p1 [sflag:s30], $0x4000  }
0x3d: {  	[sflag:s30] =	ssyncset.done @!p1 $0x0  }
0x3e: {  	[sflag:s30] =	ssyncadd.s32 @!p1 $0xFFFFC000  }
0x3f: {  	[spmem:s3] =	stream.indirect.scatter.add.f32 @!p1 [tilespmem:s1], [sflag:$0x2], $0x80, s28, s1, $0xb8;
	[tilespmem:$0x1C080] =	vst v63  }
0x40: {  	_ =	swait.ge @!p1 [sflag:s30], $0x4000  }
0x41: {  	s24 =	sadd.s32 $0x10, s2;
	[sflag:s30] =	ssyncset.done @!p1 $0x0  }
0x42: {  	s31 =	simm.s32 @!p1 $0x1;
	[sflag:s30] =	ssyncadd.s32 @!p1 $0xFFFFC000;
	s30 =	simm.s32 @!p1 $0x4080  }
0x43: {  	[spmem:s4] =	stream.indirect.scatter.add.f32 @!p1 [tilespmem:s30], [sflag:$0x1], $0x80, s28, s1, $0xb8;
	[tilespmem:$0x1C080] =	vst v63  }
0x44: {  	p3 =	sgt.u32 s24, $0x4E1;
	s29 =	simm.s32 $0x20;
	_ =	swait.ge @!p1 [sflag:s31], $0x4000  }
0x45: {  	s28 =	sadd.s32 $0x8000, s21;
	s30 =	sadd.s32 $0x100, s20;
	[sflag:s31] =	ssyncset.done @!p1 $0x0  }
.LBB2_2:
0x46: {  	s1 =	simm.s32 @!p3 $0x0;
	s0 =	simm.s32 @!p3 $0x2;
	[sflag:s31] =	ssyncadd.s32 @!p1 $0xFFFFC000  }
0x47: {  	[tilespmem:s1], [sflag:$0x2] =	stream.linear.gather @!p3 [hbm4b:s30+s1], $0x80, $0x38;
	[tilespmem:$0x1C080] =	vst v63  }
0x48: {  	s24 =	smov.u32 s29;
	s29 =	sadd.s32 $0x10, s29;
	_ =	swait.ge @!p3 [sflag:s0], $0x80  }
0x49: {  	p1 =	por p3, p3;
	p2 =	sne.s32 s29, $0x4F0;
	[sflag:s0] =	ssyncset.done @!p3 $0x0  }
0x4a: {  	s6 =	simm.s32 @!p1 $0x80;
	[sflag:s0] =	ssyncadd.s32 @!p1 $0xFFFFFF80  }
0x4b: {  	[tilespmem:s6], [sflag:$0x2] =	stream.linear.gather @!p1 [hbm4b:s28+s1], $0x4000, $0x38;
	[tilespmem:$0x1C080] =	vst v63  }
0x4c: {  	_ =	swait.ge @!p1 [sflag:s0], $0x4000  }
0x4d: {  	[sflag:s0] =	ssyncset.done @!p1 $0x0  }
0x4e: {  	[sflag:s0] =	ssyncadd.s32 @!p1 $0xFFFFC000  }
0x4f: {  	[spmem:s3] =	stream.indirect.scatter.add.f32 @!p1 [tilespmem:s6], [sflag:$0x2], $0x80, s1, s6, $0xb8;
	[tilespmem:$0x1C080] =	vst v63  }
0x50: {  	_ =	swait.ge @!p1 [sflag:s0], $0x4000  }
.Ltmp0:
0x51: {  	[sflag:s0] =	ssyncset.done @!p1 $0x0;
	(pc) =	sbr.rel @p2 .LBB2_2-.Ltmp0, $4  }
0x52: {  	s31 =	simm.s32 @!p1 $0x1;
	[sflag:s0] =	ssyncadd.s32 @!p1 $0xFFFFC000;
	s0 =	simm.s32 @!p1 $0x4080  }
0x53: {  	[spmem:s4] =	stream.indirect.scatter.add.f32 @!p1 [tilespmem:s0], [sflag:$0x1], $0x80, s1, s6, $0xb8;
	[tilespmem:$0x1C080] =	vst v63  }
0x54: {  	s28 =	sadd.s32 $0x8000, s28;
	s0 =	sadd.s32 s24, s2;
	_ =	swait.ge @!p1 [sflag:s31], $0x4000  }
0x55: {  	s30 =	sadd.s32 $0x100, s30;
	p3 =	sgt.u32 s0, $0x4E1;
	[sflag:s31] =	ssyncset.done @!p1 $0x0  }
0x56: {  	s0 =	simm.s32 @!p3 $0x0;
	s1 =	simm.s32 @!p3 $0x2;
	[sflag:s31] =	ssyncadd.s32 @!p1 $0xFFFFC000  }
0x57: {  	[tilespmem:s0], [sflag:$0x2] =	stream.linear.gather @!p3 [hbm4b:s30+s0], $0x80, $0x38;
	[tilespmem:$0x1C080] =	vst v63  }
0x58: {  	_ =	swait.ge @!p3 [sflag:s1], $0x80  }
0x59: {  	p1 =	por p3, p3;
	[sflag:s1] =	ssyncset.done @!p3 $0x0  }
0x5a: {  	s6 =	simm.s32 @!p1 $0x80;
	[sflag:s1] =	ssyncadd.s32 @!p1 $0xFFFFFF80  }
0x5b: {  	[tilespmem:s6], [sflag:$0x2] =	stream.linear.gather @!p1 [hbm4b:s28+s0], $0x4000, $0x38;
	[tilespmem:$0x1C080] =	vst v63  }
0x5c: {  	_ =	swait.ge @!p1 [sflag:s1], $0x4000  }
0x5d: {  	[sflag:s1] =	ssyncset.done @!p1 $0x0  }
0x5e: {  	[sflag:s1] =	ssyncadd.s32 @!p1 $0xFFFFC000  }
0x5f: {  	[spmem:s3] =	stream.indirect.scatter.add.f32 @!p1 [tilespmem:s6], [sflag:$0x2], $0x80, s0, s6, $0xb8;
	[tilespmem:$0x1C080] =	vst v63  }
0x60: {  	_ =	swait.ge @!p1 [sflag:s1], $0x4000  }
0x61: {  	[sflag:s1] =	ssyncset.done @!p1 $0x0  }
0x62: {  	s24 =	simm.s32 @!p1 $0x1;
	[sflag:s1] =	ssyncadd.s32 @!p1 $0xFFFFC000;
	s1 =	simm.s32 @!p1 $0x4080  }
0x63: {  	[spmem:s4] =	stream.indirect.scatter.add.f32 @!p1 [tilespmem:s1], [sflag:$0x1], $0x80, s0, s6, $0xb8;
	[tilespmem:$0x1C080] =	vst v63  }
0x64: {  	_ =	swait.ge @!p1 [sflag:s24], $0x4000  }
0x65: {  	[sflag:s24] =	ssyncset.done @!p1 $0x0  }
0x66: {  	[sflag:s24] =	ssyncadd.s32 @!p1 $0xFFFFC000  }
0x67: {  	[bflag:$0x0] =	sbarrier.arrive $0xFFFF  }
0x68: {  	[tilespmem:s22], [sflag:$0x2] =	stream.linear.gather [spmem:s8], $0x4000, $0x38;
	[tilespmem:$0x1C080] =	vst v63  }
0x69: {  	_ =	swait.ge [sflag:s25], $0x4000  }
0x6a: {  	[sflag:s25] =	ssyncset.done $0x0  }
0x6b: {  	[sflag:s25] =	ssyncadd.s32 $0xFFFFC000  }
0x6c: {  	[hbm4b:s14+s5] =	stream.linear.scatter [tilespmem:s22], [sflag:$0x2], $0x4000, $0x38;
	[tilespmem:$0x1C080] =	vst v63  }
0x6d: {  	_ =	swait.ge [sflag:s25], $0x4000  }
0x6e: {  	[sflag:s25] =	ssyncset.done $0x0  }
0x6f: {  	[sflag:s25] =	ssyncadd.s32 $0xFFFFC000  }
0x70: {  	[tilespmem:s22], [sflag:$0x2] =	stream.linear.gather [spmem:s9], $0x4000, $0x38;
	[tilespmem:$0x1C080] =	vst v63  }
0x71: {  	_ =	swait.ge [sflag:s25], $0x4000  }
0x72: {  	[sflag:s25] =	ssyncset.done $0x0  }
0x73: {  	[sflag:s25] =	ssyncadd.s32 $0xFFFFC000  }
0x74: {  	[hbm4b:s15+s5] =	stream.linear.scatter [tilespmem:s22], [sflag:$0x1], $0x4000, $0x38;
	[tilespmem:$0x1C080] =	vst v63  }
0x75: {  	_ =	swait.ge [sflag:s23], $0x4000  }
0x76: {  	[sflag:s23] =	ssyncset.done $0x0  }
0x77: {  	[sflag:s23] =	ssyncadd.s32 $0xFFFFC000  }
0x78: {  	[tilespmem:s22], [sflag:$0x2] =	stream.linear.gather [spmem:s10], $0x4000, $0x38;
	[tilespmem:$0x1C080] =	vst v63  }
0x79: {  	_ =	swait.ge [sflag:s25], $0x4000  }
0x7a: {  	[sflag:s25] =	ssyncset.done $0x0  }
0x7b: {  	[sflag:s25] =	ssyncadd.s32 $0xFFFFC000  }
0x7c: {  	[hbm4b:s16+s5] =	stream.linear.scatter [tilespmem:s22], [sflag:$0x2], $0x4000, $0x38;
	[tilespmem:$0x1C080] =	vst v63  }
0x7d: {  	_ =	swait.ge [sflag:s25], $0x4000  }
0x7e: {  	[sflag:s25] =	ssyncset.done $0x0  }
0x7f: {  	[sflag:s25] =	ssyncadd.s32 $0xFFFFC000  }
0x80: {  	[tilespmem:s22], [sflag:$0x2] =	stream.linear.gather [spmem:s11], $0x4000, $0x38;
	[tilespmem:$0x1C080] =	vst v63  }
0x81: {  	_ =	swait.ge [sflag:s25], $0x4000  }
0x82: {  	[sflag:s25] =	ssyncset.done $0x0  }
0x83: {  	[sflag:s25] =	ssyncadd.s32 $0xFFFFC000  }
0x84: {  	[hbm4b:s17+s5] =	stream.linear.scatter [tilespmem:s22], [sflag:$0x1], $0x4000, $0x38;
	[tilespmem:$0x1C080] =	vst v63  }
0x85: {  	_ =	swait.ge [sflag:s23], $0x4000  }
0x86: {  	[sflag:s23] =	ssyncset.done $0x0  }
0x87: {  	s0 =	simm.s32 @!p0 $0x80;
	s1 =	simm.s32 @!p0 $0x2;
	[sflag:s23] =	ssyncadd.s32 $0xFFFFC000  }
0x88: {  	[tilespmem:s0], [sflag:$0x2] =	stream.linear.gather @!p0 [spmem:s12], $0x4000, $0x38;
	[tilespmem:$0x1C080] =	vst v63  }
0x89: {  	_ =	swait.ge @!p0 [sflag:s1], $0x4000  }
0x8a: {  	[sflag:s1] =	ssyncset.done @!p0 $0x0  }
0x8b: {  	s6 =	simm.s32 @!p0 $0x0;
	[sflag:s1] =	ssyncadd.s32 @!p0 $0xFFFFC000  }
0x8c: {  	[hbm4b:s18+s6] =	stream.linear.scatter @!p0 [tilespmem:s0], [sflag:$0x2], $0x4000, $0x38;
	[tilespmem:$0x1C080] =	vst v63  }
0x8d: {  	_ =	swait.ge @!p0 [sflag:s1], $0x4000  }
0x8e: {  	[sflag:s1] =	ssyncset.done @!p0 $0x0  }
0x8f: {  	[sflag:s1] =	ssyncadd.s32 @!p0 $0xFFFFC000  }
0x90: {  	[tilespmem:s0], [sflag:$0x2] =	stream.linear.gather @!p0 [spmem:s13], $0x4000, $0x38;
	[tilespmem:$0x1C080] =	vst v63  }
0x91: {  	_ =	swait.ge @!p0 [sflag:s1], $0x4000  }
0x92: {  	s26 =	sadd.s32 $0x1, s26;
	[sflag:s1] =	ssyncset.done @!p0 $0x0  }
0x93: {  	p1 =	sne.s32 s26, s7;
	[sflag:s1] =	ssyncadd.s32 @!p0 $0xFFFFC000  }
0x94: {  	[hbm4b:s19+s6] =	stream.linear.scatter @!p0 [tilespmem:s0], [sflag:$0x1], $0x4000, $0x38;
	[tilespmem:$0x1C080] =	vst v63  }
.Ltmp1:
0x95: {  	_ = 	snop;
	(pc) =	sbr.rel @p1 .LBB2_1-.Ltmp1, $4  }
0x96: {  	s0 =	simm.s32 @!p0 $0x1  }
0x97: {  	_ =	swait.ge @!p0 [sflag:s0], $0x4000  }
0x98: {  	[sflag:s0] =	ssyncset.done @!p0 $0x0  }
0x99: {  	[sflag:s0] =	ssyncadd.s32 @!p0 $0xFFFFC000  }
0x9a: {  	_ =	sfence.sel $0x180000  }
0x9b: {  	[bflag:$0x0] =	sbarrier.arrive $0xFFFF  }
0x9c: {  	_ =	strace $0x9000004A  }
0x9d: {  	[bflag:$0x2] =	sbarrier.arrive $0xFFFF  }
0x9e: {  	p0 =	sne.s32 s2, $0x0;
	s0 =	rddreg [dreg:$0x4]  }
0x9f: {  	s0 =	sadd.s32 @!p0 $0x100000, s0  }
0xa0: {  	[sflag:s0] =	ssyncadd.tile.s32 @!p0 $0x1;
	_ =	shalt  }
.Lfunc_end2:
_tile_overlayer_lowered:
.L_overlay_start_2:
0xa1: {  	(tag) =	ssettag $0x2  }
0xa2: {  	s0 =	rddreg [dreg:$0x0];
	s2 =	stileid.u32  }
0xa3: {  	s1 =	rddreg [dreg:$0x1];
	p0 =	sne.s32 s2, $0x0  }
0xa4: {  	s3 =	rddreg [dreg:$0x2];
	[bflag:$0x3] =	sbarrier.arrive $0xFFFF;
	s2 =	simm.s32 @!p0 $0x1C01  }
0xa5: {  	[timem:s3], [sflag:s2] =	dma.local @!p0 [hbm:s0], s1  }
0xa6: {  	s0 =	simm.s32 @!p0 $0x1  }
0xa7: {  	_ =	swait.ge @!p0 [sflag:s0], s1  }
0xa8: {  	s1 =	ssub.s32 @!p0 $0x0, s1;
	[sflag:s0] =	ssyncset.done @!p0 $0x0  }
0xa9: {  	[sflag:s0] =	ssyncadd.s32 @!p0 s1  }
0xaa: {  	[bflag:$0x3] =	sbarrier.arrive $0xFFFF  }
0xab: {  	_ =	shalt  }

// kernel: kernel.7.cloned.1.call-start
scs
__scs_entry_jumppad:
0x0: {  	(pc) =	sbr.rel $0x88, $3  }
0x1: {  	(tag) =	ssettag $0x0;
	lr =	simm.s32 $0x1  }
0x2: {  	[smem:$0x3F86] =	sst lr;
	_ =	strace $0xD0000000  }
0x3: {  	_ = 	snop  }
0x4: {  	_ = 	snop  }
0x5: {  	_ = 	snop  }
0x6: {  	_ = 	snop  }
0x7: {  	_ = 	snop  }
__scs_overlays_trampoline_lowered:
0x8: {  	[smem:$0x3F95] =	sst s0  }
0x9: {  	[smem:$0x3F96] =	sst s1  }
0xa: {  	[smem:$0x3F97] =	sst s2  }
0xb: {  	[smem:$0x3F98] =	sst s3  }
0xc: {  	[smem:$0x3F99] =	sst s4  }
0xd: {  	[smem:$0x3F9A] =	sst s5  }
0xe: {  	[smem:$0x3F9B] =	sst s6  }
0xf: {  	[smem:$0x3F9C] =	sst s7  }
0x10: {  	[smem:$0x3F9D] =	sst s8  }
0x11: {  	[smem:$0x3F9E] =	sst s9;
	s0 =	simm.s32 @!p0 $0x0  }
0x12: {  	s1 =	sld [smem:$0x3F84];
	s0 =	simm.s32 @p0 $0x1  }
0x13: {  	[smem:$0x3F9F] =	sst s0;
	s0 =	simm.s32 @!p1 $0x0  }
0x14: {  	s2 =	sld [smem:$0x3F83];
	s0 =	simm.s32 @p1 $0x1  }
0x15: {  	[smem:$0x3FA0] =	sst s0;
	s0 =	simm.s32 @!p2 $0x0  }
0x16: {  	s3 =	sld [smem:$0x3FDB];
	s0 =	simm.s32 @p2 $0x1  }
0x17: {  	s4 =	simm.s32 $0x1BF5;
	[smem:$0x3FA2] =	sst s0  }
0x18: {  	s0 =	sld [smem:$0x3F85];
	_ =	swait.ge [sflag:s4], $0x0  }
0x19: {  	s7 =	sld [smem:$0x3F86]  }
0x1a: {  	s8 =	sadd.s32 $0xFFFFE003, lr  }
0x1b: {  	s9 =	sadd.s32 $0xFFFFFEF7, lr;
	s5 =	simm.s32 $0xFFFFFFFF;
	p2 =	slt.u32 s8, $0xFFFFF086  }
0x1c: {  	p1 =	slt.u32 s9, $0xF7A;
	s5 =	simm.s32 @!p2 $0x0  }
0x1d: {  	s5 =	simm.s32 @p1 $0x1;
	p0 =	seq.s32 s7, s2  }
0x1e: {  	s7 =	smul.u32 @!p0 $0xF7A, s2;
	p2 =	seq.s32 @!p0 s5, $0x0  }
0x1f: {  	s9 =	smul.u32 $0xF7A, s1;
	s8 =	simm.s32 @!p0 $0x1BF5;
	p2 =	por !p2, p0  }
0x20: {  	[sflag:s8] =	ssyncset.s32 @!p0 $0xFFFFF086;
	s6 =	sadd.s32 @!p0 s3, s7;
	s7 =	simm.s32 @!p0 $0x108  }
0x21: {  	s3 =	sadd.s32 s3, s9;
	s6 =	sadd.s32 @!p0 $0x88, s6;
	s7 =	simm.s32 @p2 $0x1082  }
0x22: {  	[simem:s7], [sflag:s8] =	dma.local @!p0 [hbm:s6], $0xF7A  }
0x23: {  	s9 =	sor.u32 $0xD0000000, s2;
	s6 =	simm.s32 $0x108;
	_ =	swait.ge @!p0 [sflag:s8], $0x0  }
0x24: {  	s3 =	sadd.s32 $0x88, s3;
	s6 =	simm.s32 @!p1 $0x1082;
	[sflag:s4] =	ssyncset.s32 $0xFFFFF086  }
0x25: {  	[simem:s6], [sflag:s4] =	dma.local [hbm:s3], $0xF7A  }
0x26: {  	[smem:$0x3F86] =	sst s1;
	(tag) =	ssettag s2;
	_ =	strace s9  }
0x27: {  	s1 =	sld [smem:$0x3F96]  }
0x28: {  	s2 =	sld [smem:$0x3F97]  }
0x29: {  	s4 =	sld [smem:$0x3F99]  }
0x2a: {  	p0 =	seq.s32 s5, $0x0;
	s5 =	sld [smem:$0x3F9A]  }
0x2b: {  	s6 =	sld [smem:$0x3F9B]  }
0x2c: {  	s7 =	sld [smem:$0x3F9C]  }
0x2d: {  	s3 =	simm.s32 $0x108;
	s8 =	sld [smem:$0x3F9D]  }
0x2e: {  	s3 =	simm.s32 @!p0 $0x1082;
	s9 =	sld [smem:$0x3F9E]  }
0x2f: {  	lr =	sadd.s32 s0, s3;
	s0 =	sld [smem:$0x3F95]  }
0x30: {  	s3 =	sld [smem:$0x3F98]  }
0x31: {  	[smem:$0x3FA1] =	sst s10  }
0x32: {  	s10 =	sld [smem:$0x3F9F];
	_ =	sdelay $0x3  }
0x33: {  	p0 =	seq.s32 s10, $0x1;
	s10 =	sld [smem:$0x3FA1];
	_ =	sdelay $0x3  }
0x34: {  	[smem:$0x3FA1] =	sst s10  }
0x35: {  	s10 =	sld [smem:$0x3FA0];
	_ =	sdelay $0x3  }
0x36: {  	p1 =	seq.s32 s10, $0x1;
	s10 =	sld [smem:$0x3FA1];
	_ =	sdelay $0x3  }
0x37: {  	[smem:$0x3FA1] =	sst s10  }
0x38: {  	s10 =	sld [smem:$0x3FA2]  }
0x39: {  	_ = 	snop;
	(pc) =	sbr.ind lr, $3  }
0x3a: {  	_ = 	snop  }
0x3b: {  	_ = 	snop  }
0x3c: {  	p2 =	seq.s32 s10, $0x1;
	s10 =	sld [smem:$0x3FA1]  }
0x3d: {  	_ =	shalt  }
0x3e: {  	_ =	shalt  }
0x3f: {  	_ =	shalt  }
0x40: {  	_ =	shalt  }
0x41: {  	_ =	shalt  }
0x42: {  	_ =	shalt  }
0x43: {  	_ =	shalt  }
0x44: {  	_ =	shalt  }
0x45: {  	_ =	shalt  }
0x46: {  	_ =	shalt  }
0x47: {  	_ =	shalt  }
0x48: {  	_ =	shalt  }
0x49: {  	_ =	shalt  }
0x4a: {  	_ =	shalt  }
0x4b: {  	_ =	shalt  }
0x4c: {  	_ =	shalt  }
0x4d: {  	_ =	shalt  }
0x4e: {  	_ =	shalt  }
0x4f: {  	_ =	shalt  }
0x50: {  	_ =	shalt  }
0x51: {  	_ =	shalt  }
0x52: {  	_ =	shalt  }
0x53: {  	_ =	shalt  }
0x54: {  	_ =	shalt  }
0x55: {  	_ =	shalt  }
0x56: {  	_ =	shalt  }
0x57: {  	_ =	shalt  }
0x58: {  	_ =	shalt  }
0x59: {  	_ =	shalt  }
0x5a: {  	_ =	shalt  }
0x5b: {  	_ =	shalt  }
0x5c: {  	_ =	shalt  }
0x5d: {  	_ =	shalt  }
0x5e: {  	_ =	shalt  }
0x5f: {  	_ =	shalt  }
0x60: {  	_ =	shalt  }
0x61: {  	_ =	shalt  }
0x62: {  	_ =	shalt  }
0x63: {  	_ =	shalt  }
0x64: {  	_ =	shalt  }
0x65: {  	_ =	shalt  }
0x66: {  	_ =	shalt  }
0x67: {  	_ =	shalt  }
0x68: {  	_ =	shalt  }
0x69: {  	_ =	shalt  }
0x6a: {  	_ =	shalt  }
0x6b: {  	_ =	shalt  }
0x6c: {  	_ =	shalt  }
0x6d: {  	_ =	shalt  }
0x6e: {  	_ =	shalt  }
0x6f: {  	_ =	shalt  }
0x70: {  	_ =	shalt  }
0x71: {  	_ =	shalt  }
0x72: {  	_ =	shalt  }
0x73: {  	_ =	shalt  }
0x74: {  	_ =	shalt  }
0x75: {  	_ =	shalt  }
0x76: {  	_ =	shalt  }
0x77: {  	_ =	shalt  }
0x78: {  	_ =	shalt  }
0x79: {  	_ =	shalt  }
0x7a: {  	_ =	shalt  }
0x7b: {  	_ =	shalt  }
0x7c: {  	_ =	shalt  }
0x7d: {  	_ =	shalt  }
0x7e: {  	_ =	shalt  }
0x7f: {  	_ =	shalt  }
0x80: {  	_ =	shalt  }
0x81: {  	_ =	shalt  }
0x82: {  	_ =	shalt  }
0x83: {  	_ =	shalt  }
0x84: {  	_ =	shalt  }
0x85: {  	_ =	shalt  }
0x86: {  	_ =	shalt  }
0x87: {  	_ =	shalt  }
.Lfunc_end0:
.L_simem_size_0:
called_computation_lowered:
.L_overlay_start_0:
0x88: {  	s2 =	sld [smem:$0x3FD9]  }
0x89: {  	s3 =	sld [smem:$0x3FFE];
	_ =	sdelay $0x1  }
0x8a: {  	s1 =	srdreg.scid  }
0x8b: {  	s0 =	sand.u32 $0x1, s1  }
0x8c: {  	s17 =	sshll.u32 s0, $0xA;
	s2 =	sadd.s32 s3, s2  }
0x8d: {  	s2 =	sadd.s32 s2, s17  }
0x8e: {  	[smem:$0x3FAD] =	sst s2  }
0x8f: {  	_ = 	snop  }
0x90: {  	s2 =	sld [smem:$0x3FD0];
	(tm) =	ssettm $0x1  }
0x91: {  	s18 =	sld [smem:$0x3FFB];
	_ =	sdelay $0x3  }
0x92: {  	_ =	strace s18  }
0x93: {  	s3 =	sld [smem:$0x3FFC];
	_ =	sdelay $0x3  }
0x94: {  	_ =	strace s3  }
0x95: {  	s3 =	sld [smem:$0x3FFD];
	_ =	sdelay $0x3  }
0x96: {  	_ =	strace s3  }
0x97: {  	_ =	strace $0x8FFFFFFF  }
0x98: {  	s19 =	sld [smem:$0x3FDB];
	_ =	sdelay $0x1  }
0x99: {  	s4 =	simm.s32 $_scs_section_size  }
0x9a: {  	s5 =	simm.s32 $_size__tile_overlayer_lowered;
	s6 =	simm.s32 $_tile_overlayer_lowered  }
0x9b: {  	s22 =	simm.s32 $0x1BFF;
	s21 =	sshll.u32 s6, $0x1;
	s3 =	sadd.s32 s4, s19  }
0x9c: {  	s7 =	simm.s32 $0x0;
	s20 =	sshll.u32 s5, $0x1;
	s5 =	sadd.s32 s21, s3  }
0x9d: {  	[timem:s7], [sflag:s22] =	dma.local [hbm:s5], s20  }
0x9e: {  	_ =	swait.ge [sflag:s22], s20  }
0x9f: {  	s4 =	ssub.s32 $0x0, s20;
	[sflag:s22] =	ssyncset.done $0x0  }
0xa0: {  	[sflag:s22] =	ssyncadd.s32 s4;
	_ =	sdelay $0x1  }
0xa1: {  	s23 =	simm.s32 $0x1B8B  }
0xa2: {  	_ =	swait.ge [sflag:s23], $0x1  }
0xa3: {  	[sflag:s23] =	ssyncset.done $0x0  }
0xa4: {  	s25 =	simm.s32 $0x1B8E;
	s24 =	sld [smem:$0x3FFE];
	[sflag:s23] =	ssyncadd.s32 $0xFFFFFFFF  }
0xa5: {  	s26 =	simm.s32 $execute0_lowered;
	[smem:$0x3FD2] =	sst s25  }
0xa6: {  	s5 =	sshll.u32 s26, $0x1;
	_ =	strace $0x80000046;
	[dreg:$0x1] =	wrdreg $0xFFFFFFFF  }
0xa7: {  	s28 =	simm.s32 $_size_execute0_lowered;
	s3 =	sadd.s32 s3, s5;
	[dreg:$0x0] =	wrdreg $0x0  }
0xa8: {  	s5 =	sshll.u32 s28, $0x1;
	[dreg:$0x2] =	wrdreg s3  }
0xa9: {  	[dreg:$0x3] =	wrdreg s5  }
0xaa: {  	[dreg:$0x4] =	wrdreg $0xC0  }
0xab: {  	_ =	task [dreg:s7], $0x5FFFF  }
0xac: {  	[dreg:$0x1] =	wrdreg $0xFFFFFFFF  }
0xad: {  	[dreg:$0x0] =	wrdreg $0x60  }
0xae: {  	[dreg:$0x2] =	wrdreg s2  }
0xaf: {  	[dreg:$0x3] =	wrdreg s24  }
0xb0: {  	[dreg:$0x4] =	wrdreg $0x9  }
0xb1: {  	_ =	task.clear_ibuf [dreg:s7], $0x5FFFF;
	_ =	strace $0x90000046  }
0xb2: {  	s29 =	simm.s32 $0x9;
	_ =	strace $0x80000048  }
0xb3: {  	_ =	swait.ge [sflag:s29], $0x1  }
0xb4: {  	[sflag:s29] =	ssyncadd.s32 $0xFFFFFFFF  }
0xb5: {  	_ =	strace $0x90000048  }
0xb6: {  	_ =	sfence  }
0xb7: {  	s30 =	sld [smem:$0x0];
	_ =	sdelay $0x2  }
0xb8: {  	s31 =	sshll.u32 s1, $0xD;
	s1 =	sshrl.u32 s1, $0x2  }
0xb9: {  	s3 =	sand.u32 $0x4000, s31;
	s1 =	sadd.s32 s1, s30  }
0xba: {  	s0 =	sor.u32 s3, s0;
	s1 =	sshll.u32 s1, $0x11  }
0xbb: {  	s0 =	sor.u32 s1, s0  }
0xbc: {  	s0 =	sadd.s32 $0x8F2B, s0  }
0xbd: {  	[sflag:s0] =	ssyncadd.remote.s32 $0x1  }
0xbe: {  	_ =	sfence.sel $0xFFFF  }
0xbf: {  	[dreg:$0x0] =	wrdreg $0xFFFFFFFF;
	(pc) =	sbr.abs _section_cstart, $3  }
0xc0: {  	[dreg:$0x1] =	wrdreg $0xFFFFFFFF  }
0xc1: {  	_ =	task.clear_ibuf [dreg:s7], $0x2FFFF;
	_ =	strace $0x9FFFFFFF  }
0xc2: {  	(tm) =	ssettm $0x7FFFFFFF  }
0xc3: {  	_ =	shalt  }
tec
execute0_lowered:
.L_overlay_start_1:
0x0: {  	(tag) =	ssettag $0x1  }
0x1: {  	s1 =	rddreg [dreg:$0x0]  }
0x2: {  	s4 =	rddreg [dreg:$0x1]  }
0x3: {  	s0 =	rddreg [dreg:$0x2];
	s3 =	simm.s32 $0x0;
	s5 =	srdreg.scid  }
0x4: {  	s2 =	stileid.u32;
	[smem:$0x7FF] =	sst s3;
	s5 =	sand.u32 $0x1, s5  }
0x5: {  	s6 =	sshll.u32 s2, $0x5;
	s8 =	sshll.u32 s2, $0xC;
	_ =	strace $0x80000047  }
0x6: {  	s7 =	ssub.s32 $0x2, s5;
	s6 =	sadd.s32 s6, s4;
	s8 =	sadd.s32 s8, s4  }
0x7: {  	s31 =	sshll.u32 s5, $0x4;
	s10 =	sshll.u32 s5, $0xB;
	s9 =	sshrl.u32 s7, $0x1  }
0x8: {  	s4 =	sshll.u32 s2, $0x1;
	s10 =	sadd.s32 s10, s8;
	s7 =	ssub.s32 s7, s9  }
0x9: {  	s9 =	sadd.s32 s31, s6;
	s8 =	sadd.s32 $0x281C00, s10;
	s5 =	smax.u32 s7, $0x1  }
0xa: {  	s6 =	sadd.s32 $0x6C00, s9;
	s7 =	sadd.s32 $0xBC00, s9;
	s9 =	sadd.s32 $0x10C00, s10  }
.LBB2_1:
0xb: {  	p0 =	sgt.u32 s4, $0x4E1  }
0xc: {  	s10 =	sadd.s32 @!p0 $0x0, s7;
	s11 =	simm.s32 @!p0 $0x0;
	s14 =	simm.s32 @!p0 $0x4  }
0xd: {  	[tilespmem:s11], [sflag:$0x4] =	stream.linear.gather @!p0 [hbm4b:s10+s11], $0x80, $0x38;
	[tilespmem:$0x8100] =	vst v63  }
0xe: {  	_ =	swait.ge @!p0 [sflag:s14], $0x80;
	p0 =	por p0, p0  }
0xf: {  	[sflag:s14] =	ssyncset.done @!p0 $0x0  }
0x10: {  	s10 =	sadd.s32 @!p0 $0x0, s6;
	s12 =	simm.s32 @!p0 $0x80;
	[sflag:s14] =	ssyncadd.s32 @!p0 $0xFFFFFF80  }
0x11: {  	[tilespmem:s12], [sflag:$0x4] =	stream.linear.gather @!p0 [hbm4b:s10+s11], $0x80, $0x38;
	[tilespmem:$0x8100] =	vst v63  }
0x12: {  	_ =	swait.ge @!p0 [sflag:s14], $0x80  }
0x13: {  	[sflag:s14] =	ssyncset.done @!p0 $0x0  }
0x14: {  	s10 =	simm.s32 @!p0 $0x100;
	[sflag:s14] =	ssyncadd.s32 @!p0 $0xFFFFFF80  }
0x15: {  	[tilespmem:s10], [sflag:$0x1] =	stream.indirect.gather @!p0 [hbm4b:s1+s12], $0x80, s11, s12, $0xb8;
	[tilespmem:$0x8100] =	vst v63  }
0x16: {  	s15 =	simm.s32 @!p0 $0x4100;
	s13 =	simm.s32 @!p0 $0x1  }
0x17: {  	[tilespmem:s15], [sflag:$0x2] =	stream.indirect.gather @!p0 [hbm4b:s1+s12], $0x80, s12, s12, $0xb8;
	[tilespmem:$0x8100] =	vst v63  }
0x18: {  	_ =	swait.ge @!p0 [sflag:s13], $0x4000  }
0x19: {  	[sflag:s13] =	ssyncset.done @!p0 $0x0  }
0x1a: {  	s12 =	simm.s32 @!p0 $0x2;
	[sflag:s13] =	ssyncadd.s32 @!p0 $0xFFFFC000  }
0x1b: {  	_ =	swait.ge @!p0 [sflag:s12], $0x4000  }
0x1c: {  	[sflag:s12] =	ssyncset.done @!p0 $0x0  }
0x1d: {  	[sflag:s12] =	ssyncadd.s32 @!p0 $0xFFFFC000  }
0x1e: {  	[hbm4b:s9+s11] =	stream.linear.scatter @!p0 [tilespmem:s10], [sflag:$0x4], $0x4000, $0x38;
	[tilespmem:$0x8100] =	vst v63  }
0x1f: {  	_ =	swait.ge @!p0 [sflag:s14], $0x4000  }
0x20: {  	[sflag:s14] =	ssyncset.done @!p0 $0x0  }
0x21: {  	s13 =	simm.s32 $0x400;
	s12 =	simm.s32 $0x200;
	[sflag:s14] =	ssyncadd.s32 @!p0 $0xFFFFC000  }
0x22: {  	[hbm4b:s8+s11] =	stream.linear.scatter @!p0 [tilespmem:s15], [sflag:$0x3], $0x4000, $0x38;
	[tilespmem:$0x8100] =	vst v63  }
0x23: {  	s10 =	sadd.s32 $0x10000, s9;
	s14 =	sadd.s32 $0x20, s4;
	s15 =	simm.s32 @!p0 $0x3  }
0x24: {  	p2 =	sgt.u32 s14, $0x4E1;
	s11 =	sadd.s32 $0x10000, s8;
	_ =	swait.ge @!p0 [sflag:s15], $0x4000  }
.LBB2_2:
0x25: {  	s16 =	sadd.s32 @!p2 s12, s7  }
0x26: {  	s17 =	simm.s32 @!p2 $0x0;
	[sflag:s15] =	ssyncset.done @!p0 $0x0;
	s18 =	smov.u32 s13  }
0x27: {  	s13 =	sadd.s32 $0x200, s13;
	s19 =	simm.s32 @!p2 $0x4;
	[sflag:s15] =	ssyncadd.s32 @!p0 $0xFFFFC000  }
0x28: {  	[tilespmem:s17], [sflag:$0x4] =	stream.linear.gather @!p2 [hbm4b:s16+s17], $0x80, $0x38;
	[tilespmem:$0x8100] =	vst v63  }
0x29: {  	p1 =	sne.s32 s13, $0x5000;
	p0 =	por p2, p2;
	_ =	swait.ge @!p2 [sflag:s19], $0x80  }
0x2a: {  	[sflag:s19] =	ssyncset.done @!p0 $0x0  }
0x2b: {  	s12 =	sadd.s32 @!p0 s12, s6;
	s15 =	simm.s32 @!p0 $0x80;
	[sflag:s19] =	ssyncadd.s32 @!p0 $0xFFFFFF80  }
0x2c: {  	[tilespmem:s15], [sflag:$0x4] =	stream.linear.gather @!p0 [hbm4b:s12+s17], $0x80, $0x38;
	[tilespmem:$0x8100] =	vst v63  }
0x2d: {  	s12 =	smov.u32 s18;
	_ =	swait.ge @!p0 [sflag:s19], $0x80  }
0x2e: {  	[sflag:s19] =	ssyncset.done @!p0 $0x0  }
0x2f: {  	s16 =	simm.s32 @!p0 $0x100;
	[sflag:s19] =	ssyncadd.s32 @!p0 $0xFFFFFF80  }
0x30: {  	[tilespmem:s16], [sflag:$0x1] =	stream.indirect.gather @!p0 [hbm4b:s1+s15], $0x80, s17, s15, $0xb8;
	[tilespmem:$0x8100] =	vst v63  }
0x31: {  	s20 =	simm.s32 @!p0 $0x1;
	s18 =	simm.s32 @!p0 $0x4100  }
0x32: {  	[tilespmem:s18], [sflag:$0x2] =	stream.indirect.gather @!p0 [hbm4b:s1+s15], $0x80, s15, s15, $0xb8;
	[tilespmem:$0x8100] =	vst v63  }
0x33: {  	_ =	swait.ge @!p0 [sflag:s20], $0x4000  }
0x34: {  	[sflag:s20] =	ssyncset.done @!p0 $0x0  }
0x35: {  	s15 =	simm.s32 @!p0 $0x2;
	[sflag:s20] =	ssyncadd.s32 @!p0 $0xFFFFC000  }
0x36: {  	_ =	swait.ge @!p0 [sflag:s15], $0x4000  }
0x37: {  	[sflag:s15] =	ssyncset.done @!p0 $0x0  }
0x38: {  	[sflag:s15] =	ssyncadd.s32 @!p0 $0xFFFFC000  }
0x39: {  	[hbm4b:s10+s17] =	stream.linear.scatter @!p0 [tilespmem:s16], [sflag:$0x4], $0x4000, $0x38;
	[tilespmem:$0x8100] =	vst v63  }
.Ltmp0:
0x3a: {  	_ =	swait.ge @!p0 [sflag:s19], $0x4000;
	(pc) =	sbr.rel @p1 .LBB2_2-.Ltmp0, $4  }
0x3b: {  	s10 =	sadd.s32 $0x10000, s10;
	[sflag:s19] =	ssyncset.done @!p0 $0x0  }
0x3c: {  	s14 =	sadd.s32 $0x20, s14;
	s15 =	simm.s32 @!p0 $0x3;
	[sflag:s19] =	ssyncadd.s32 @!p0 $0xFFFFC000  }
0x3d: {  	[hbm4b:s11+s17] =	stream.linear.scatter @!p0 [tilespmem:s18], [sflag:$0x3], $0x4000, $0x38;
	[tilespmem:$0x8100] =	vst v63  }
0x3e: {  	p2 =	sgt.u32 s14, $0x4E1;
	s11 =	sadd.s32 $0x10000, s11;
	_ =	swait.ge @!p0 [sflag:s15], $0x4000  }
0x3f: {  	s13 =	sadd.s32 @!p2 s12, s7;
	[sflag:s15] =	ssyncset.done @!p0 $0x0  }
0x40: {  	s14 =	simm.s32 @!p2 $0x0;
	s16 =	simm.s32 @!p2 $0x4;
	[sflag:s15] =	ssyncadd.s32 @!p0 $0xFFFFC000  }
0x41: {  	[tilespmem:s14], [sflag:$0x4] =	stream.linear.gather @!p2 [hbm4b:s13+s14], $0x80, $0x38;
	[tilespmem:$0x8100] =	vst v63  }
0x42: {  	p0 =	por p2, p2;
	_ =	swait.ge @!p2 [sflag:s16], $0x80  }
0x43: {  	[sflag:s16] =	ssyncset.done @!p0 $0x0  }
0x44: {  	s12 =	sadd.s32 @!p0 s12, s6;
	s13 =	simm.s32 @!p0 $0x80;
	[sflag:s16] =	ssyncadd.s32 @!p0 $0xFFFFFF80  }
0x45: {  	[tilespmem:s13], [sflag:$0x4] =	stream.linear.gather @!p0 [hbm4b:s12+s14], $0x80, $0x38;
	[tilespmem:$0x8100] =	vst v63  }
0x46: {  	_ =	swait.ge @!p0 [sflag:s16], $0x80  }
0x47: {  	[sflag:s16] =	ssyncset.done @!p0 $0x0  }
0x48: {  	s12 =	simm.s32 @!p0 $0x100;
	[sflag:s16] =	ssyncadd.s32 @!p0 $0xFFFFFF80  }
0x49: {  	[tilespmem:s12], [sflag:$0x1] =	stream.indirect.gather @!p0 [hbm4b:s1+s13], $0x80, s14, s13, $0xb8;
	[tilespmem:$0x8100] =	vst v63  }
0x4a: {  	s15 =	simm.s32 @!p0 $0x4100;
	s17 =	simm.s32 @!p0 $0x1  }
0x4b: {  	[tilespmem:s15], [sflag:$0x2] =	stream.indirect.gather @!p0 [hbm4b:s1+s13], $0x80, s13, s13, $0xb8;
	[tilespmem:$0x8100] =	vst v63  }
0x4c: {  	_ =	swait.ge @!p0 [sflag:s17], $0x4000  }
0x4d: {  	[sflag:s17] =	ssyncset.done @!p0 $0x0  }
0x4e: {  	s13 =	simm.s32 @!p0 $0x2;
	[sflag:s17] =	ssyncadd.s32 @!p0 $0xFFFFC000  }
0x4f: {  	_ =	swait.ge @!p0 [sflag:s13], $0x4000  }
0x50: {  	[sflag:s13] =	ssyncset.done @!p0 $0x0  }
0x51: {  	[sflag:s13] =	ssyncadd.s32 @!p0 $0xFFFFC000  }
0x52: {  	[hbm4b:s10+s14] =	stream.linear.scatter @!p0 [tilespmem:s12], [sflag:$0x4], $0x4000, $0x38;
	[tilespmem:$0x8100] =	vst v63  }
0x53: {  	s3 =	sadd.s32 $0x1, s3;
	_ =	swait.ge @!p0 [sflag:s16], $0x4000  }
0x54: {  	p1 =	sne.s32 s3, s5;
	[sflag:s16] =	ssyncset.done @!p0 $0x0  }
.Ltmp1:
0x55: {  	s10 =	simm.s32 @!p0 $0x3;
	[sflag:s16] =	ssyncadd.s32 @!p0 $0xFFFFC000;
	(pc) =	sbr.rel @p1 .LBB2_1-.Ltmp1, $4  }
0x56: {  	[hbm4b:s11+s14] =	stream.linear.scatter @!p0 [tilespmem:s15], [sflag:$0x3], $0x4000, $0x38;
	[tilespmem:$0x8100] =	vst v63  }
0x57: {  	_ =	swait.ge @!p0 [sflag:s10], $0x4000  }
0x58: {  	[sflag:s10] =	ssyncset.done @!p0 $0x0  }
0x59: {  	[sflag:s10] =	ssyncadd.s32 @!p0 $0xFFFFC000  }
0x5a: {  	_ =	sfence.sel $0x180000  }
0x5b: {  	[bflag:$0x0] =	sbarrier.arrive $0xFFFF  }
0x5c: {  	p0 =	sne.s32 s2, $0x0;
	_ =	strace $0x90000047  }
0x5d: {  	s0 =	sadd.s32 @!p0 $0x100000, s0;
	[bflag:$0x2] =	sbarrier.arrive $0xFFFF  }
0x5e: {  	[sflag:s0] =	ssyncadd.tile.s32 @!p0 $0x1;
	_ =	shalt  }
.Lfunc_end2:
_tile_overlayer_lowered:
.L_overlay_start_2:
0x5f: {  	(tag) =	ssettag $0x2  }
0x60: {  	s0 =	rddreg [dreg:$0x0];
	s2 =	stileid.u32  }
0x61: {  	s1 =	rddreg [dreg:$0x1];
	p0 =	sne.s32 s2, $0x0  }
0x62: {  	s3 =	rddreg [dreg:$0x2];
	[bflag:$0x3] =	sbarrier.arrive $0xFFFF;
	s2 =	simm.s32 @!p0 $0x1C03  }
0x63: {  	[timem:s3], [sflag:s2] =	dma.local @!p0 [hbm:s0], s1  }
0x64: {  	s0 =	simm.s32 @!p0 $0x3  }
0x65: {  	_ =	swait.ge @!p0 [sflag:s0], s1  }
0x66: {  	s1 =	ssub.s32 @!p0 $0x0, s1;
	[sflag:s0] =	ssyncset.done @!p0 $0x0  }
0x67: {  	[sflag:s0] =	ssyncadd.s32 @!p0 s1  }
0x68: {  	[bflag:$0x3] =	sbarrier.arrive $0xFFFF  }
0x69: {  	_ =	shalt  }

</sc_bundles>
